<compile_context>
chip_gen: v7x
topology: tpu7x:2x2x1
jax: 0.10.2.dev20260603
libtpu: 0.0.44.dev20260713+nightly
codegen_flags: <defaults>
</compile_context>

<pallas_src>
import jax
import jax.numpy as jnp
from jax.experimental import pallas as pl
from jax.experimental.pallas import tpu as pltpu

_NEIGHBOURING_K = 128
_N_SAMPLING = 4096
_RADIUS0 = 0.4
_BN_EPS = 1e-5


def _bis(values, indices):
    return jax.vmap(lambda v, i: v[i])(values, indices)


_FPS_R = 8
_FPS_C = 1024


def _fps_kernel(pos_ref, out_ref, dists_ref):
    px = pos_ref[0, 0]
    py = pos_ref[0, 1]
    pz = pos_ref[0, 2]
    lin = (jax.lax.broadcasted_iota(jnp.int32, (_FPS_R, _FPS_C), 0) * _FPS_C
           + jax.lax.broadcasted_iota(jnp.int32, (_FPS_R, _FPS_C), 1))

    def dist_to(sx, sy, sz):
        dx = px - sx
        dy = py - sy
        dz = pz - sz
        return (dx * dx + dz * dz) + dy * dy

    out_ref[0, 0, 0] = 0
    sx0 = px[0:1, 0:1]
    sy0 = py[0:1, 0:1]
    sz0 = pz[0:1, 0:1]
    dists_ref[...] = dist_to(sx0, sy0, sz0)

    def body(i, carry):
        sx, sy, sz = carry
        d = jnp.minimum(dists_ref[...], dist_to(sx, sy, sz))
        dists_ref[...] = d
        m = jnp.max(d)
        cand = jnp.where(d == m, lin, jnp.int32(8192))
        nxt = jnp.min(cand)
        out_ref[0, 0, i] = nxt
        sel = lin == nxt
        nsx = jnp.sum(jnp.where(sel, px, 0.0), keepdims=True)
        nsy = jnp.sum(jnp.where(sel, py, 0.0), keepdims=True)
        nsz = jnp.sum(jnp.where(sel, pz, 0.0), keepdims=True)
        return (nsx, nsy, nsz)

    jax.lax.fori_loop(1, _N_SAMPLING, body, (sx0, sy0, sz0))


def _fps(pos, n_sampling):
    bz = pos.shape[0]
    pos_t = jnp.transpose(pos, (0, 2, 1)).reshape(bz, 3, _FPS_R, _FPS_C)
    out = pl.pallas_call(
        _fps_kernel,
        grid=(bz,),
        in_specs=[pl.BlockSpec((1, 3, _FPS_R, _FPS_C), lambda b: (b, 0, 0, 0))],
        out_specs=pl.BlockSpec((1, 1, n_sampling), lambda b: (b, 0, 0),
                               memory_space=pltpu.SMEM),
        out_shape=jax.ShapeDtypeStruct((bz, 1, n_sampling), jnp.int32),
        scratch_shapes=[pltpu.VMEM((_FPS_R, _FPS_C), jnp.float32)],
    )(pos_t)
    return out[:, 0, :]


def _mlp(feat, layers):
    for (w, b, g, bt) in layers:
        feat = jnp.einsum('...i,io->...o', feat, w) + b
        feat = feat / jnp.sqrt(1.0 + _BN_EPS) * g + bt
        feat = jax.nn.relu(feat)
    return feat


_KNN_R = 64


def _cmpx(key, idx, j, down):
    lane = jax.lax.broadcasted_iota(jnp.int32, key.shape, key.ndim - 1)
    bit = (lane & j) != 0
    pk = jnp.where(bit, pltpu.roll(key, j, key.ndim - 1),
                   pltpu.roll(key, 128 - j, key.ndim - 1))
    pi = jnp.where(bit, pltpu.roll(idx, j, idx.ndim - 1),
                   pltpu.roll(idx, 128 - j, idx.ndim - 1))
    less = (pk < key) | ((pk == key) & (pi < idx))
    take = less ^ bit
    if down is not None:
        take = take ^ down
    return jnp.where(take, pk, key), jnp.where(take, pi, idx)


def _knn_kernel(pos_ref, spos_ref, idx_ref, bias_ref):
    px = pos_ref[0, 0]
    py = pos_ref[0, 1]
    pz = pos_ref[0, 2]
    sx = spos_ref[0, :, 0].reshape(_KNN_R, 1, 1)
    sy = spos_ref[0, :, 1].reshape(_KNN_R, 1, 1)
    sz = spos_ref[0, :, 2].reshape(_KNN_R, 1, 1)
    dx = px[None] - sx
    dy = py[None] - sy
    dz = pz[None] - sz
    sq = (dx * dx + dy * dy) + dz * dz
    key = jnp.maximum(sq, 1e-12)
    idx = (jax.lax.broadcasted_iota(jnp.int32, key.shape, 1) * 128
           + jax.lax.broadcasted_iota(jnp.int32, key.shape, 2))

    desc0 = jax.lax.broadcasted_iota(jnp.int32, key.shape, 1) >= 32

    def outer(p, carry):
        k, i = carry
        kk = jnp.int32(1) << p
        lane = jax.lax.broadcasted_iota(jnp.int32, k.shape, 2)
        down = ((lane & kk) != 0) ^ desc0

        def inner(t, c2):
            return _cmpx(c2[0], c2[1], kk >> (t + 1), down)

        return jax.lax.fori_loop(0, p, inner, (k, i))

    key, idx = jax.lax.fori_loop(1, 8, outer, (key, idx))

    c = 64
    while c > 1:
        half = c // 2
        ak, ai = key[:, :half], idx[:, :half]
        bk, bi = key[:, half:c], idx[:, half:c]
        lessb = (bk < ak) | ((bk == ak) & (bi < ai))
        key = jnp.where(lessb, bk, ak)
        idx = jnp.where(lessb, bi, ai)
        if half > 1:
            desc = (jax.lax.broadcasted_iota(jnp.int32, key.shape, 1)
                    >= half // 2)
        else:
            desc = jnp.zeros(key.shape, jnp.bool_)

        def clean(t, c2, _desc=desc):
            return _cmpx(c2[0], c2[1], jnp.int32(64) >> t, _desc)

        key, idx = jax.lax.fori_loop(0, 7, clean, (key, idx))
        c = half

    idx_ref[0] = idx[:, 0, :]
    ppd = jnp.sqrt(key[:, 0, :])
    bias_ref[0] = jnp.where(ppd <= _RADIUS0, 0.0, -1e8).astype(jnp.float32)


def _knn(pos, sampled_pos):
    bz, n, _ = pos.shape
    ns = sampled_pos.shape[1]
    pos_r = jnp.transpose(pos, (0, 2, 1)).reshape(bz, 3, 64, 128)
    grid = (bz, ns // _KNN_R)
    idx, bias = pl.pallas_call(
        _knn_kernel,
        grid=grid,
        in_specs=[
            pl.BlockSpec((1, 3, 64, 128), lambda b, t: (b, 0, 0, 0)),
            pl.BlockSpec((1, _KNN_R, 3), lambda b, t: (b, t, 0)),
        ],
        out_specs=[
            pl.BlockSpec((1, _KNN_R, 128), lambda b, t: (b, t, 0)),
            pl.BlockSpec((1, _KNN_R, 128), lambda b, t: (b, t, 0)),
        ],
        out_shape=[
            jax.ShapeDtypeStruct((bz, ns, 128), jnp.int32),
            jax.ShapeDtypeStruct((bz, ns, 128), jnp.float32),
        ],
    )(pos_r, sampled_pos)
    return idx, bias




def _stage2_kernel(feat_ref, w1_ref, b1_ref, w2_ref, b2_ref, w3_ref, b3_ref,
                   out_ref):
    t = pl.program_id(1)
    f = feat_ref[0]
    inv = 1.0 / jnp.sqrt(1.0 + _BN_EPS)
    h = jnp.dot(f, w1_ref[...], preferred_element_type=jnp.float32)
    h = jax.nn.relu(h * inv * b1_ref[0] + b1_ref[1])
    h = jnp.dot(h, w2_ref[...], preferred_element_type=jnp.float32)
    h = jax.nn.relu(h * inv * b2_ref[0] + b2_ref[1])
    h = jnp.dot(h, w3_ref[...], preferred_element_type=jnp.float32)
    h = jax.nn.relu(h * inv * b3_ref[0] + b3_ref[1])
    m = jnp.max(h, axis=0, keepdims=True)[None]

    @pl.when(t == 0)
    def _init():
        out_ref[...] = m

    @pl.when(t != 0)
    def _acc():
        out_ref[...] = jnp.maximum(out_ref[...], m)


def _stage2(feat, layers):
    bz, n, _ = feat.shape
    inv = 1.0 / jnp.sqrt(1.0 + _BN_EPS)
    packed = []
    for (w, b, g, bt) in layers:
        scale = g
        shift = b * inv * g + bt
        packed.append((w, jnp.stack([scale, shift])))
    (w1, p1), (w2, p2), (w3, p3) = packed
    T = 1024
    grid = (bz, n // T)
    out = pl.pallas_call(
        _stage2_kernel,
        grid=grid,
        in_specs=[
            pl.BlockSpec((1, T, 131), lambda b, t: (b, t, 0)),
            pl.BlockSpec((131, 128), lambda b, t: (0, 0)),
            pl.BlockSpec((2, 128), lambda b, t: (0, 0)),
            pl.BlockSpec((128, 128), lambda b, t: (0, 0)),
            pl.BlockSpec((2, 128), lambda b, t: (0, 0)),
            pl.BlockSpec((128, 1024), lambda b, t: (0, 0)),
            pl.BlockSpec((2, 1024), lambda b, t: (0, 0)),
        ],
        out_specs=pl.BlockSpec((1, 1, 1024), lambda b, t: (b, 0, 0)),
        out_shape=jax.ShapeDtypeStruct((bz, 1, 1024), jnp.float32),
    )(feat, w1, p1, w2, p2, w3, p3)
    return out[:, 0, :]


def kernel(x, pos, params):
    bz = pos.shape[0]
    fps_idx = _fps(pos[:, :, :3], _N_SAMPLING)
    sampled_pos = _bis(pos, fps_idx)
    topk_idx, bias = _knn(pos, sampled_pos)
    grouped_pos = _bis(pos, topk_idx) - sampled_pos[:, :, None, :]
    grouped_feat = jnp.concatenate([grouped_pos, _bis(x, topk_idx)], axis=-1)
    gf = _mlp(grouped_feat, params[0])
    gf = gf + bias[..., None]
    feat0 = jnp.max(gf, axis=2)

    gfeat = jnp.concatenate([sampled_pos, feat0], axis=-1)
    global_x = _stage2(gfeat, params[1])

    rt_pp_feat = jnp.swapaxes(feat0, -1, -2)
    return rt_pp_feat, global_x, topk_idx

# --- scband reference (transcript-rebuilt; emitter-appended) ---
"""Pipeline reference for scband-pointnet-pp-82729660055784 (READ-ONLY COPY).

The authoritative reference and input builder live on the scoring server;
editing this copy changes nothing except your own understanding.
"""

import jax, jax.numpy as jnp
import numpy as np

NEIGHBOURING_K = 128
N_SAMPLES = (4096, 1)
RADIUS = (0.4, None)
BN_EPS = 1e-5
MLPS_IN = ((6, 64, 64), (131, 128, 128))
MLPS_OUT = ((64, 64, 128), (128, 128, 1024))


def _init_params(key):
    params = []
    for dims_in, dims_out in zip(MLPS_IN, MLPS_OUT):
        layers = []
        c_in = dims_in[0]
        for c_out in dims_out:
            key, k1, k2, k3 = jax.random.split(key, 4)
            w = (jax.random.normal(k1, (c_in, c_out)) / np.sqrt(c_in)).astype(jnp.float32)
            b = (0.01 * jax.random.normal(k2, (c_out,))).astype(jnp.float32)
            g = (1.0 + 0.1 * jax.random.normal(k3, (c_out,))).astype(jnp.float32)
            bt = jnp.zeros((c_out,), jnp.float32)
            layers.append((w, b, g, bt))
            c_in = c_out
        params.append(layers)
    return params


def _bis(values, indices):
    # batched_index_select along dim=1: values [bz,N,d], indices [bz,...] -> [bz,...,d]
    return jax.vmap(lambda v, i: v[i])(values, indices)


def _fps(pos, n_sampling):
    # farthest point sampling; pos [bz,N,3] -> int32 [bz,n_sampling] (per-batch indices)
    def one(p):
        def body(i, state):
            idxs, dists = state
            last = idxs[i - 1]
            d = jnp.sum((p - p[last]) ** 2, axis=-1)
            dists = jnp.minimum(dists, d)
            nxt = jnp.argmax(dists).astype(jnp.int32)
            return (idxs.at[i].set(nxt), dists)
        idxs0 = jnp.zeros((n_sampling,), dtype=jnp.int32)
        d0 = jnp.sum((p - p[0]) ** 2, axis=-1)
        idxs, _ = jax.lax.fori_loop(1, n_sampling, body, (idxs0, d0))
        return idxs
    return jax.vmap(one)(pos)


def _mlp(feat, layers):
    # conv2d 1x1 + BN(eval: running_mean=0, running_var=1) + ReLU, last_act=True
    for (w, b, g, bt) in layers:
        feat = jnp.einsum('...i,io->...o', feat, w) + b
        feat = feat / jnp.sqrt(1.0 + BN_EPS) * g + bt
        feat = jax.nn.relu(feat)
    return feat


def pointnetpp_forward(x, pos, params):
    bz = pos.shape[0]
    xs = [x]
    topk_idxes = []
    cur_x, cur_pos = x, pos
    for i, n_s in enumerate(N_SAMPLES):
        if n_s == 1:
            gf = jnp.concatenate([cur_pos[:, None, :, :], cur_x[:, None, :, :]], axis=-1)
            gf = _mlp(gf, params[i])[:, 0]
            cur_x = jnp.max(gf, axis=1, keepdims=True)
            cur_pos = jnp.zeros((bz, 1, 3), dtype=pos.dtype)
        else:
            fps_idx = _fps(cur_pos[:, :, :3], n_s)
            sampled_pos = _bis(cur_pos, fps_idx)
            sq = jnp.sum((sampled_pos[:, :, None, :] - cur_pos[:, None, :, :]) ** 2, axis=-1)
            ppdist = jnp.sqrt(jnp.maximum(sq, 1e-12))
            neg_d, topk_idx = jax.lax.top_k(-ppdist, NEIGHBOURING_K)
            topk_dist = -neg_d
            grouped_pos = _bis(cur_pos, topk_idx) - sampled_pos[:, :, None, :]
            grouped_feat = jnp.concatenate([grouped_pos, _bis(cur_x, topk_idx)], axis=-1)
            gf = _mlp(grouped_feat, params[i])
            mask = (topk_dist <= RADIUS[i])[..., None]
            gf = jnp.where(mask, gf, gf - 1e8)
            cur_x = jnp.max(gf, axis=2)
            cur_pos = sampled_pos
            topk_idxes.append(topk_idx)
        xs.append(cur_x)
    rt_pp_feat = jnp.swapaxes(xs[-2], -1, -2)
    global_x = jnp.squeeze(jnp.swapaxes(cur_x, -1, -2), -1)
    return rt_pp_feat, global_x, topk_idxes[-1]


def setup_inputs(seed: int = 0) -> dict:
    key = jax.random.key(seed)
    k1, k2, k3 = jax.random.split(key, 3)
    x = jax.random.normal(k1, (2, 8192, 3), dtype=jnp.float32)
    pos = jax.random.uniform(k2, (2, 8192, 3), dtype=jnp.float32)
    params = _init_params(k3)
    return {"x": x, "pos": pos, "params": params}


def reference(x, pos, params):
    return pointnetpp_forward(x, pos, params)

if __name__ == "__main__":
    import jax
    _d = setup_inputs()
    print(jax.jit(kernel)(*tuple(_d.values())))

</pallas_src>

<mosaic_0001>
module attributes {stable_mosaic.version = 14 : i64} {
  func.func @_knn_kernel(%arg0: i32, %arg1: i32, %arg2: memref<1x3x64x128xf32, #tpu.memory_space<vmem>>, %arg3: memref<1x64x3xf32, #tpu.memory_space<vmem>>, %arg4: memref<1x64x128xi32, #tpu.memory_space<vmem>>, %arg5: memref<1x64x128xf32, #tpu.memory_space<vmem>>) attributes {dimension_semantics = [#tpu.dimension_semantics<arbitrary>, #tpu.dimension_semantics<arbitrary>], iteration_bounds = array<i64: 2, 64>, scalar_prefetch = 0 : i64, scratch_operands = 0 : i64, tpu.core_type = #tpu.core_type<tc>, window_params = [{transform_indices = @transform_0, window_bounds = array<i64: 1, 3, 64, 128>}, {transform_indices = @transform_1, window_bounds = array<i64: 1, 64, 3>}, {transform_indices = @transform_2, window_bounds = array<i64: 1, 64, 128>}, {transform_indices = @transform_3, window_bounds = array<i64: 1, 64, 128>}]} {
    %get3A = arith.constant 0 : index
    %get3A_0 = arith.constant 0 : index
    %get3A_1 = arith.constant 0 : index
    %get3A_2 = arith.constant 0 : index
    %get3A_3 = vector.load %arg2[%get3A, %get3A_0, %get3A_1, %get3A_2] : memref<1x3x64x128xf32, #tpu.memory_space<vmem>>, vector<1x1x64x128xf32>
    %get3A_4 = vector.shape_cast %get3A_3 : vector<1x1x64x128xf32> to vector<64x128xf32>
    %get3A_5 = arith.constant 0 : index
    %get3A_6 = arith.constant 1 : index
    %get3A_7 = arith.constant 0 : index
    %get3A_8 = arith.constant 0 : index
    %get3A_9 = vector.load %arg2[%get3A_5, %get3A_6, %get3A_7, %get3A_8] : memref<1x3x64x128xf32, #tpu.memory_space<vmem>>, vector<1x1x64x128xf32>
    %get3A_10 = vector.shape_cast %get3A_9 : vector<1x1x64x128xf32> to vector<64x128xf32>
    %get3A_11 = arith.constant 0 : index
    %get3A_12 = arith.constant 2 : index
    %get3A_13 = arith.constant 0 : index
    %get3A_14 = arith.constant 0 : index
    %get3A_15 = vector.load %arg2[%get3A_11, %get3A_12, %get3A_13, %get3A_14] : memref<1x3x64x128xf32, #tpu.memory_space<vmem>>, vector<1x1x64x128xf32>
    %get3A_16 = vector.shape_cast %get3A_15 : vector<1x1x64x128xf32> to vector<64x128xf32>
    %get3A_17 = arith.constant 0 : index
    %get3A_18 = arith.constant 0 : index
    %get3A_19 = arith.constant 0 : index
    %get3A_20 = vector.load %arg3[%get3A_17, %get3A_18, %get3A_19] : memref<1x64x3xf32, #tpu.memory_space<vmem>>, vector<1x64x1xf32>
    %get3A_21 = vector.shape_cast %get3A_20 : vector<1x64x1xf32> to vector<64xf32>
    %reshape3A = vector.shape_cast %get3A_21 : vector<64xf32> to vector<64x1x1xf32>
    %get3A_22 = arith.constant 0 : index
    %get3A_23 = arith.constant 0 : index
    %get3A_24 = arith.constant 1 : index
    %get3A_25 = vector.load %arg3[%get3A_22, %get3A_23, %get3A_24] : memref<1x64x3xf32, #tpu.memory_space<vmem>>, vector<1x64x1xf32>
    %get3A_26 = vector.shape_cast %get3A_25 : vector<1x64x1xf32> to vector<64xf32>
    %reshape3A_27 = vector.shape_cast %get3A_26 : vector<64xf32> to vector<64x1x1xf32>
    %get3A_28 = arith.constant 0 : index
    %get3A_29 = arith.constant 0 : index
    %get3A_30 = arith.constant 2 : index
    %get3A_31 = vector.load %arg3[%get3A_28, %get3A_29, %get3A_30] : memref<1x64x3xf32, #tpu.memory_space<vmem>>, vector<1x64x1xf32>
    %get3A_32 = vector.shape_cast %get3A_31 : vector<1x64x1xf32> to vector<64xf32>
    %reshape3A_33 = vector.shape_cast %get3A_32 : vector<64xf32> to vector<64x1x1xf32>
    %broadcast_in_dim3A = vector.shape_cast %get3A_4 : vector<64x128xf32> to vector<1x64x128xf32>
    %sub3A = vector.broadcast %broadcast_in_dim3A : vector<1x64x128xf32> to vector<64x64x128xf32>
    %sub3A_34 = vector.broadcast %reshape3A : vector<64x1x1xf32> to vector<64x64x128xf32>
    %sub3A_35 = arith.subf %sub3A, %sub3A_34 : vector<64x64x128xf32>
    %broadcast_in_dim3A_36 = vector.shape_cast %get3A_10 : vector<64x128xf32> to vector<1x64x128xf32>
    %sub3A_37 = vector.broadcast %broadcast_in_dim3A_36 : vector<1x64x128xf32> to vector<64x64x128xf32>
    %sub3A_38 = vector.broadcast %reshape3A_27 : vector<64x1x1xf32> to vector<64x64x128xf32>
    %sub3A_39 = arith.subf %sub3A_37, %sub3A_38 : vector<64x64x128xf32>
    %broadcast_in_dim3A_40 = vector.shape_cast %get3A_16 : vector<64x128xf32> to vector<1x64x128xf32>
    %sub3A_41 = vector.broadcast %broadcast_in_dim3A_40 : vector<1x64x128xf32> to vector<64x64x128xf32>
    %sub3A_42 = vector.broadcast %reshape3A_33 : vector<64x1x1xf32> to vector<64x64x128xf32>
    %sub3A_43 = arith.subf %sub3A_41, %sub3A_42 : vector<64x64x128xf32>
    %mul3A = arith.mulf %sub3A_35, %sub3A_35 : vector<64x64x128xf32>
    %mul3A_44 = arith.mulf %sub3A_39, %sub3A_39 : vector<64x64x128xf32>
    %add3A = arith.addf %mul3A, %mul3A_44 : vector<64x64x128xf32>
    %mul3A_45 = arith.mulf %sub3A_43, %sub3A_43 : vector<64x64x128xf32>
    %add3A_46 = arith.addf %add3A, %mul3A_45 : vector<64x64x128xf32>
    %max3A = arith.constant 9.99999996E-13 : f32
    %max3A_47 = vector.broadcast %max3A : f32 to vector<64x64x128xf32>
    %max3A_48 = arith.maximumf %add3A_46, %max3A_47 : vector<64x64x128xf32>
    %iota3A = tpu.iota {dimensions = array<i32: 1>} : vector<64x64x128xi32>
    %mul3A_49 = arith.constant 128 : i32
    %mul3A_50 = vector.broadcast %mul3A_49 : i32 to vector<64x64x128xi32>
    %mul3A_51 = arith.muli %iota3A, %mul3A_50 : vector<64x64x128xi32>
    %iota3A_52 = tpu.iota {dimensions = array<i32: 2>} : vector<64x64x128xi32>
    %add3A_53 = arith.addi %mul3A_51, %iota3A_52 : vector<64x64x128xi32>
    %iota3A_54 = tpu.iota {dimensions = array<i32: 1>} : vector<64x64x128xi32>
    %ge3A = arith.constant 32 : i32
    %ge3A_55 = vector.broadcast %ge3A : i32 to vector<64x64x128xi32>
    %ge3A_56 = arith.cmpi sge, %iota3A_54, %ge3A_55 : vector<64x64x128xi32>
    %scan3A = arith.constant 1 : i32
    %scan3A_57 = arith.constant 7 : i32
    %scan3A_58 = arith.addi %scan3A, %scan3A_57 : i32
    %scan3A_59 = arith.constant 1 : i32
    %scan3A_60:2 = scf.for %scan3A_198 = %scan3A to %scan3A_58 step %scan3A_59 iter_args(%scan3A_199 = %max3A_48, %scan3A_200 = %add3A_53) -> (vector<64x64x128xf32>, vector<64x64x128xi32>)  : i32 {
      %shift_left3A = arith.constant 1 : i32
      %shift_left3A_201 = arith.shli %shift_left3A, %scan3A_198 : i32
      %iota3A_202 = tpu.iota {dimensions = array<i32: 2>} : vector<64x64x128xi32>
      %and3A_203 = vector.broadcast %shift_left3A_201 : i32 to vector<64x64x128xi32>
      %and3A_204 = arith.andi %iota3A_202, %and3A_203 : vector<64x64x128xi32>
      %ne3A = arith.constant 0 : i32
      %ne3A_205 = vector.broadcast %ne3A : i32 to vector<64x64x128xi32>
      %ne3A_206 = arith.cmpi ne, %and3A_204, %ne3A_205 : vector<64x64x128xi32>
      %xor3A = arith.xori %ne3A_206, %ge3A_56 : vector<64x64x128xi1>
      %while3A = arith.constant 0 : i32
      %while3A_207 = arith.subi %scan3A_198, %while3A : i32
      %while3A_208 = arith.addi %while3A, %while3A_207 : i32
      %while3A_209 = arith.constant 1 : i32
      %while3A_210 = arith.divsi %while3A_207, %while3A_209 : i32
      %while3A_211 = arith.muli %while3A_210, %while3A_209 : i32
      %while3A_212 = arith.addi %while3A, %while3A_211 : i32
      %while3A_213 = arith.constant 1 : i32
      %while3A_214:2 = scf.for %while3A_217 = %while3A to %while3A_212 step %while3A_213 iter_args(%while3A_218 = %scan3A_199, %while3A_219 = %scan3A_200) -> (vector<64x64x128xf32>, vector<64x64x128xi32>)  : i32 {
        %add3A_220 = arith.constant 1 : i32
        %add3A_221 = arith.addi %while3A_217, %add3A_220 : i32
        %shift_right_arithmetic3A = arith.shrsi %shift_left3A_201, %add3A_221 : i32
        %iota3A_222 = tpu.iota {dimensions = array<i32: 2>} : vector<64x64x128xi32>
        %and3A_223 = vector.broadcast %shift_right_arithmetic3A : i32 to vector<64x64x128xi32>
        %and3A_224 = arith.andi %iota3A_222, %and3A_223 : vector<64x64x128xi32>
        %ne3A_225 = arith.constant 0 : i32
        %ne3A_226 = vector.broadcast %ne3A_225 : i32 to vector<64x64x128xi32>
        %ne3A_227 = arith.cmpi ne, %and3A_224, %ne3A_226 : vector<64x64x128xi32>
        %roll3A = tpu.dynamic_rotate %while3A_218 by %shift_right_arithmetic3A dim 2 : vector<64x64x128xf32>, i32 -> vector<64x64x128xf32>
        %sub3A_228 = arith.constant 128 : i32
        %sub3A_229 = arith.subi %sub3A_228, %shift_right_arithmetic3A : i32
        %roll3A_230 = tpu.dynamic_rotate %while3A_218 by %sub3A_229 dim 2 : vector<64x64x128xf32>, i32 -> vector<64x64x128xf32>
        %select_n3A_231 = arith.select %ne3A_227, %roll3A, %roll3A_230 : vector<64x64x128xi1>, vector<64x64x128xf32>
        %roll3A_232 = tpu.dynamic_rotate %while3A_219 by %shift_right_arithmetic3A dim 2 : vector<64x64x128xi32>, i32 -> vector<64x64x128xi32>
        %sub3A_233 = arith.constant 128 : i32
        %sub3A_234 = arith.subi %sub3A_233, %shift_right_arithmetic3A : i32
        %roll3A_235 = tpu.dynamic_rotate %while3A_219 by %sub3A_234 dim 2 : vector<64x64x128xi32>, i32 -> vector<64x64x128xi32>
        %select_n3A_236 = arith.select %ne3A_227, %roll3A_232, %roll3A_235 : vector<64x64x128xi1>, vector<64x64x128xi32>
        %lt3A_237 = arith.cmpf olt, %select_n3A_231, %while3A_218 : vector<64x64x128xf32>
        %eq3A_238 = arith.cmpf oeq, %select_n3A_231, %while3A_218 : vector<64x64x128xf32>
        %lt3A_239 = arith.cmpi slt, %select_n3A_236, %while3A_219 : vector<64x64x128xi32>
        %and3A_240 = arith.andi %eq3A_238, %lt3A_239 : vector<64x64x128xi1>
        %or3A_241 = arith.ori %lt3A_237, %and3A_240 : vector<64x64x128xi1>
        %xor3A_242 = arith.xori %or3A_241, %ne3A_227 : vector<64x64x128xi1>
        %xor3A_243 = arith.xori %xor3A_242, %xor3A : vector<64x64x128xi1>
        %select_n3A_244 = arith.select %xor3A_243, %select_n3A_231, %while3A_218 : vector<64x64x128xi1>, vector<64x64x128xf32>
        %select_n3A_245 = arith.select %xor3A_243, %select_n3A_236, %while3A_219 : vector<64x64x128xi1>, vector<64x64x128xi32>
        scf.yield %select_n3A_244, %select_n3A_245 : vector<64x64x128xf32>, vector<64x64x128xi32>
      }
      %while3A_215 = arith.constant 1 : i32
      %while3A_216:2 = scf.for %while3A_217 = %while3A_212 to %while3A_208 step %while3A_215 iter_args(%while3A_218 = %while3A_214#0, %while3A_219 = %while3A_214#1) -> (vector<64x64x128xf32>, vector<64x64x128xi32>)  : i32 {
        %add3A_220 = arith.constant 1 : i32
        %add3A_221 = arith.addi %while3A_217, %add3A_220 : i32
        %shift_right_arithmetic3A = arith.shrsi %shift_left3A_201, %add3A_221 : i32
        %iota3A_222 = tpu.iota {dimensions = array<i32: 2>} : vector<64x64x128xi32>
        %and3A_223 = vector.broadcast %shift_right_arithmetic3A : i32 to vector<64x64x128xi32>
        %and3A_224 = arith.andi %iota3A_222, %and3A_223 : vector<64x64x128xi32>
        %ne3A_225 = arith.constant 0 : i32
        %ne3A_226 = vector.broadcast %ne3A_225 : i32 to vector<64x64x128xi32>
        %ne3A_227 = arith.cmpi ne, %and3A_224, %ne3A_226 : vector<64x64x128xi32>
        %roll3A = tpu.dynamic_rotate %while3A_218 by %shift_right_arithmetic3A dim 2 : vector<64x64x128xf32>, i32 -> vector<64x64x128xf32>
        %sub3A_228 = arith.constant 128 : i32
        %sub3A_229 = arith.subi %sub3A_228, %shift_right_arithmetic3A : i32
        %roll3A_230 = tpu.dynamic_rotate %while3A_218 by %sub3A_229 dim 2 : vector<64x64x128xf32>, i32 -> vector<64x64x128xf32>
        %select_n3A_231 = arith.select %ne3A_227, %roll3A, %roll3A_230 : vector<64x64x128xi1>, vector<64x64x128xf32>
        %roll3A_232 = tpu.dynamic_rotate %while3A_219 by %shift_right_arithmetic3A dim 2 : vector<64x64x128xi32>, i32 -> vector<64x64x128xi32>
        %sub3A_233 = arith.constant 128 : i32
        %sub3A_234 = arith.subi %sub3A_233, %shift_right_arithmetic3A : i32
        %roll3A_235 = tpu.dynamic_rotate %while3A_219 by %sub3A_234 dim 2 : vector<64x64x128xi32>, i32 -> vector<64x64x128xi32>
        %select_n3A_236 = arith.select %ne3A_227, %roll3A_232, %roll3A_235 : vector<64x64x128xi1>, vector<64x64x128xi32>
        %lt3A_237 = arith.cmpf olt, %select_n3A_231, %while3A_218 : vector<64x64x128xf32>
        %eq3A_238 = arith.cmpf oeq, %select_n3A_231, %while3A_218 : vector<64x64x128xf32>
        %lt3A_239 = arith.cmpi slt, %select_n3A_236, %while3A_219 : vector<64x64x128xi32>
        %and3A_240 = arith.andi %eq3A_238, %lt3A_239 : vector<64x64x128xi1>
        %or3A_241 = arith.ori %lt3A_237, %and3A_240 : vector<64x64x128xi1>
        %xor3A_242 = arith.xori %or3A_241, %ne3A_227 : vector<64x64x128xi1>
        %xor3A_243 = arith.xori %xor3A_242, %xor3A : vector<64x64x128xi1>
        %select_n3A_244 = arith.select %xor3A_243, %select_n3A_231, %while3A_218 : vector<64x64x128xi1>, vector<64x64x128xf32>
        %select_n3A_245 = arith.select %xor3A_243, %select_n3A_236, %while3A_219 : vector<64x64x128xi1>, vector<64x64x128xi32>
        scf.yield %select_n3A_244, %select_n3A_245 : vector<64x64x128xf32>, vector<64x64x128xi32>
      }
      scf.yield %while3A_216#0, %while3A_216#1 : vector<64x64x128xf32>, vector<64x64x128xi32>
    }
    %scan3A_61 = arith.constant 7 : i32
    %slice3A = vector.extract_strided_slice %scan3A_60#0 {offsets = [0, 0, 0], sizes = [64, 32, 128], strides = [1, 1, 1]} : vector<64x64x128xf32> to vector<64x32x128xf32>
    %slice3A_62 = vector.extract_strided_slice %scan3A_60#1 {offsets = [0, 0, 0], sizes = [64, 32, 128], strides = [1, 1, 1]} : vector<64x64x128xi32> to vector<64x32x128xi32>
    %slice3A_63 = vector.extract_strided_slice %scan3A_60#0 {offsets = [0, 32, 0], sizes = [64, 32, 128], strides = [1, 1, 1]} : vector<64x64x128xf32> to vector<64x32x128xf32>
    %slice3A_64 = vector.extract_strided_slice %scan3A_60#1 {offsets = [0, 32, 0], sizes = [64, 32, 128], strides = [1, 1, 1]} : vector<64x64x128xi32> to vector<64x32x128xi32>
    %lt3A = arith.cmpf olt, %slice3A_63, %slice3A : vector<64x32x128xf32>
    %eq3A = arith.cmpf oeq, %slice3A_63, %slice3A : vector<64x32x128xf32>
    %lt3A_65 = arith.cmpi slt, %slice3A_64, %slice3A_62 : vector<64x32x128xi32>
    %and3A = arith.andi %eq3A, %lt3A_65 : vector<64x32x128xi1>
    %or3A = arith.ori %lt3A, %and3A : vector<64x32x128xi1>
    %select_n3A = arith.select %or3A, %slice3A_63, %slice3A : vector<64x32x128xi1>, vector<64x32x128xf32>
    %select_n3A_66 = arith.select %or3A, %slice3A_64, %slice3A_62 : vector<64x32x128xi1>, vector<64x32x128xi32>
    %iota3A_67 = tpu.iota {dimensions = array<i32: 1>} : vector<64x32x128xi32>
    %ge3A_68 = arith.constant 16 : i32
    %ge3A_69 = vector.broadcast %ge3A_68 : i32 to vector<64x32x128xi32>
    %ge3A_70 = arith.cmpi sge, %iota3A_67, %ge3A_69 : vector<64x32x128xi32>
    %scan3A_71 = arith.constant 0 : i32
    %scan3A_72 = arith.constant 7 : i32
    %scan3A_73 = arith.addi %scan3A_71, %scan3A_72 : i32
    %scan3A_74 = arith.constant 1 : i32
    %scan3A_75:2 = scf.for %scan3A_198 = %scan3A_71 to %scan3A_73 step %scan3A_74 iter_args(%scan3A_199 = %select_n3A, %scan3A_200 = %select_n3A_66) -> (vector<64x32x128xf32>, vector<64x32x128xi32>)  : i32 {
      %shift_right_arithmetic3A = arith.constant 64 : i32
      %shift_right_arithmetic3A_201 = arith.shrsi %shift_right_arithmetic3A, %scan3A_198 : i32
      %iota3A_202 = tpu.iota {dimensions = array<i32: 2>} : vector<64x32x128xi32>
      %and3A_203 = vector.broadcast %shift_right_arithmetic3A_201 : i32 to vector<64x32x128xi32>
      %and3A_204 = arith.andi %iota3A_202, %and3A_203 : vector<64x32x128xi32>
      %ne3A = arith.constant 0 : i32
      %ne3A_205 = vector.broadcast %ne3A : i32 to vector<64x32x128xi32>
      %ne3A_206 = arith.cmpi ne, %and3A_204, %ne3A_205 : vector<64x32x128xi32>
      %roll3A = tpu.dynamic_rotate %scan3A_199 by %shift_right_arithmetic3A_201 dim 2 : vector<64x32x128xf32>, i32 -> vector<64x32x128xf32>
      %sub3A_207 = arith.constant 128 : i32
      %sub3A_208 = arith.subi %sub3A_207, %shift_right_arithmetic3A_201 : i32
      %roll3A_209 = tpu.dynamic_rotate %scan3A_199 by %sub3A_208 dim 2 : vector<64x32x128xf32>, i32 -> vector<64x32x128xf32>
      %select_n3A_210 = arith.select %ne3A_206, %roll3A, %roll3A_209 : vector<64x32x128xi1>, vector<64x32x128xf32>
      %roll3A_211 = tpu.dynamic_rotate %scan3A_200 by %shift_right_arithmetic3A_201 dim 2 : vector<64x32x128xi32>, i32 -> vector<64x32x128xi32>
      %sub3A_212 = arith.constant 128 : i32
      %sub3A_213 = arith.subi %sub3A_212, %shift_right_arithmetic3A_201 : i32
      %roll3A_214 = tpu.dynamic_rotate %scan3A_200 by %sub3A_213 dim 2 : vector<64x32x128xi32>, i32 -> vector<64x32x128xi32>
      %select_n3A_215 = arith.select %ne3A_206, %roll3A_211, %roll3A_214 : vector<64x32x128xi1>, vector<64x32x128xi32>
      %lt3A_216 = arith.cmpf olt, %select_n3A_210, %scan3A_199 : vector<64x32x128xf32>
      %eq3A_217 = arith.cmpf oeq, %select_n3A_210, %scan3A_199 : vector<64x32x128xf32>
      %lt3A_218 = arith.cmpi slt, %select_n3A_215, %scan3A_200 : vector<64x32x128xi32>
      %and3A_219 = arith.andi %eq3A_217, %lt3A_218 : vector<64x32x128xi1>
      %or3A_220 = arith.ori %lt3A_216, %and3A_219 : vector<64x32x128xi1>
      %xor3A = arith.xori %or3A_220, %ne3A_206 : vector<64x32x128xi1>
      %xor3A_221 = arith.xori %xor3A, %ge3A_70 : vector<64x32x128xi1>
      %select_n3A_222 = arith.select %xor3A_221, %select_n3A_210, %scan3A_199 : vector<64x32x128xi1>, vector<64x32x128xf32>
      %select_n3A_223 = arith.select %xor3A_221, %select_n3A_215, %scan3A_200 : vector<64x32x128xi1>, vector<64x32x128xi32>
      scf.yield %select_n3A_222, %select_n3A_223 : vector<64x32x128xf32>, vector<64x32x128xi32>
    }
    %scan3A_76 = arith.constant 7 : i32
    %slice3A_77 = vector.extract_strided_slice %scan3A_75#0 {offsets = [0, 0, 0], sizes = [64, 16, 128], strides = [1, 1, 1]} : vector<64x32x128xf32> to vector<64x16x128xf32>
    %slice3A_78 = vector.extract_strided_slice %scan3A_75#1 {offsets = [0, 0, 0], sizes = [64, 16, 128], strides = [1, 1, 1]} : vector<64x32x128xi32> to vector<64x16x128xi32>
    %slice3A_79 = vector.extract_strided_slice %scan3A_75#0 {offsets = [0, 16, 0], sizes = [64, 16, 128], strides = [1, 1, 1]} : vector<64x32x128xf32> to vector<64x16x128xf32>
    %slice3A_80 = vector.extract_strided_slice %scan3A_75#1 {offsets = [0, 16, 0], sizes = [64, 16, 128], strides = [1, 1, 1]} : vector<64x32x128xi32> to vector<64x16x128xi32>
    %lt3A_81 = arith.cmpf olt, %slice3A_79, %slice3A_77 : vector<64x16x128xf32>
    %eq3A_82 = arith.cmpf oeq, %slice3A_79, %slice3A_77 : vector<64x16x128xf32>
    %lt3A_83 = arith.cmpi slt, %slice3A_80, %slice3A_78 : vector<64x16x128xi32>
    %and3A_84 = arith.andi %eq3A_82, %lt3A_83 : vector<64x16x128xi1>
    %or3A_85 = arith.ori %lt3A_81, %and3A_84 : vector<64x16x128xi1>
    %select_n3A_86 = arith.select %or3A_85, %slice3A_79, %slice3A_77 : vector<64x16x128xi1>, vector<64x16x128xf32>
    %select_n3A_87 = arith.select %or3A_85, %slice3A_80, %slice3A_78 : vector<64x16x128xi1>, vector<64x16x128xi32>
    %iota3A_88 = tpu.iota {dimensions = array<i32: 1>} : vector<64x16x128xi32>
    %ge3A_89 = arith.constant 8 : i32
    %ge3A_90 = vector.broadcast %ge3A_89 : i32 to vector<64x16x128xi32>
    %ge3A_91 = arith.cmpi sge, %iota3A_88, %ge3A_90 : vector<64x16x128xi32>
    %scan3A_92 = arith.constant 0 : i32
    %scan3A_93 = arith.constant 7 : i32
    %scan3A_94 = arith.addi %scan3A_92, %scan3A_93 : i32
    %scan3A_95 = arith.constant 1 : i32
    %scan3A_96:2 = scf.for %scan3A_198 = %scan3A_92 to %scan3A_94 step %scan3A_95 iter_args(%scan3A_199 = %select_n3A_86, %scan3A_200 = %select_n3A_87) -> (vector<64x16x128xf32>, vector<64x16x128xi32>)  : i32 {
      %shift_right_arithmetic3A = arith.constant 64 : i32
      %shift_right_arithmetic3A_201 = arith.shrsi %shift_right_arithmetic3A, %scan3A_198 : i32
      %iota3A_202 = tpu.iota {dimensions = array<i32: 2>} : vector<64x16x128xi32>
      %and3A_203 = vector.broadcast %shift_right_arithmetic3A_201 : i32 to vector<64x16x128xi32>
      %and3A_204 = arith.andi %iota3A_202, %and3A_203 : vector<64x16x128xi32>
      %ne3A = arith.constant 0 : i32
      %ne3A_205 = vector.broadcast %ne3A : i32 to vector<64x16x128xi32>
      %ne3A_206 = arith.cmpi ne, %and3A_204, %ne3A_205 : vector<64x16x128xi32>
      %roll3A = tpu.dynamic_rotate %scan3A_199 by %shift_right_arithmetic3A_201 dim 2 : vector<64x16x128xf32>, i32 -> vector<64x16x128xf32>
      %sub3A_207 = arith.constant 128 : i32
      %sub3A_208 = arith.subi %sub3A_207, %shift_right_arithmetic3A_201 : i32
      %roll3A_209 = tpu.dynamic_rotate %scan3A_199 by %sub3A_208 dim 2 : vector<64x16x128xf32>, i32 -> vector<64x16x128xf32>
      %select_n3A_210 = arith.select %ne3A_206, %roll3A, %roll3A_209 : vector<64x16x128xi1>, vector<64x16x128xf32>
      %roll3A_211 = tpu.dynamic_rotate %scan3A_200 by %shift_right_arithmetic3A_201 dim 2 : vector<64x16x128xi32>, i32 -> vector<64x16x128xi32>
      %sub3A_212 = arith.constant 128 : i32
      %sub3A_213 = arith.subi %sub3A_212, %shift_right_arithmetic3A_201 : i32
      %roll3A_214 = tpu.dynamic_rotate %scan3A_200 by %sub3A_213 dim 2 : vector<64x16x128xi32>, i32 -> vector<64x16x128xi32>
      %select_n3A_215 = arith.select %ne3A_206, %roll3A_211, %roll3A_214 : vector<64x16x128xi1>, vector<64x16x128xi32>
      %lt3A_216 = arith.cmpf olt, %select_n3A_210, %scan3A_199 : vector<64x16x128xf32>
      %eq3A_217 = arith.cmpf oeq, %select_n3A_210, %scan3A_199 : vector<64x16x128xf32>
      %lt3A_218 = arith.cmpi slt, %select_n3A_215, %scan3A_200 : vector<64x16x128xi32>
      %and3A_219 = arith.andi %eq3A_217, %lt3A_218 : vector<64x16x128xi1>
      %or3A_220 = arith.ori %lt3A_216, %and3A_219 : vector<64x16x128xi1>
      %xor3A = arith.xori %or3A_220, %ne3A_206 : vector<64x16x128xi1>
      %xor3A_221 = arith.xori %xor3A, %ge3A_91 : vector<64x16x128xi1>
      %select_n3A_222 = arith.select %xor3A_221, %select_n3A_210, %scan3A_199 : vector<64x16x128xi1>, vector<64x16x128xf32>
      %select_n3A_223 = arith.select %xor3A_221, %select_n3A_215, %scan3A_200 : vector<64x16x128xi1>, vector<64x16x128xi32>
      scf.yield %select_n3A_222, %select_n3A_223 : vector<64x16x128xf32>, vector<64x16x128xi32>
    }
    %scan3A_97 = arith.constant 7 : i32
    %slice3A_98 = vector.extract_strided_slice %scan3A_96#0 {offsets = [0, 0, 0], sizes = [64, 8, 128], strides = [1, 1, 1]} : vector<64x16x128xf32> to vector<64x8x128xf32>
    %slice3A_99 = vector.extract_strided_slice %scan3A_96#1 {offsets = [0, 0, 0], sizes = [64, 8, 128], strides = [1, 1, 1]} : vector<64x16x128xi32> to vector<64x8x128xi32>
    %slice3A_100 = vector.extract_strided_slice %scan3A_96#0 {offsets = [0, 8, 0], sizes = [64, 8, 128], strides = [1, 1, 1]} : vector<64x16x128xf32> to vector<64x8x128xf32>
    %slice3A_101 = vector.extract_strided_slice %scan3A_96#1 {offsets = [0, 8, 0], sizes = [64, 8, 128], strides = [1, 1, 1]} : vector<64x16x128xi32> to vector<64x8x128xi32>
    %lt3A_102 = arith.cmpf olt, %slice3A_100, %slice3A_98 : vector<64x8x128xf32>
    %eq3A_103 = arith.cmpf oeq, %slice3A_100, %slice3A_98 : vector<64x8x128xf32>
    %lt3A_104 = arith.cmpi slt, %slice3A_101, %slice3A_99 : vector<64x8x128xi32>
    %and3A_105 = arith.andi %eq3A_103, %lt3A_104 : vector<64x8x128xi1>
    %or3A_106 = arith.ori %lt3A_102, %and3A_105 : vector<64x8x128xi1>
    %select_n3A_107 = arith.select %or3A_106, %slice3A_100, %slice3A_98 : vector<64x8x128xi1>, vector<64x8x128xf32>
    %select_n3A_108 = arith.select %or3A_106, %slice3A_101, %slice3A_99 : vector<64x8x128xi1>, vector<64x8x128xi32>
    %iota3A_109 = tpu.iota {dimensions = array<i32: 1>} : vector<64x8x128xi32>
    %ge3A_110 = arith.constant 4 : i32
    %ge3A_111 = vector.broadcast %ge3A_110 : i32 to vector<64x8x128xi32>
    %ge3A_112 = arith.cmpi sge, %iota3A_109, %ge3A_111 : vector<64x8x128xi32>
    %scan3A_113 = arith.constant 0 : i32
    %scan3A_114 = arith.constant 7 : i32
    %scan3A_115 = arith.addi %scan3A_113, %scan3A_114 : i32
    %scan3A_116 = arith.constant 1 : i32
    %scan3A_117:2 = scf.for %scan3A_198 = %scan3A_113 to %scan3A_115 step %scan3A_116 iter_args(%scan3A_199 = %select_n3A_107, %scan3A_200 = %select_n3A_108) -> (vector<64x8x128xf32>, vector<64x8x128xi32>)  : i32 {
      %shift_right_arithmetic3A = arith.constant 64 : i32
      %shift_right_arithmetic3A_201 = arith.shrsi %shift_right_arithmetic3A, %scan3A_198 : i32
      %iota3A_202 = tpu.iota {dimensions = array<i32: 2>} : vector<64x8x128xi32>
      %and3A_203 = vector.broadcast %shift_right_arithmetic3A_201 : i32 to vector<64x8x128xi32>
      %and3A_204 = arith.andi %iota3A_202, %and3A_203 : vector<64x8x128xi32>
      %ne3A = arith.constant 0 : i32
      %ne3A_205 = vector.broadcast %ne3A : i32 to vector<64x8x128xi32>
      %ne3A_206 = arith.cmpi ne, %and3A_204, %ne3A_205 : vector<64x8x128xi32>
      %roll3A = tpu.dynamic_rotate %scan3A_199 by %shift_right_arithmetic3A_201 dim 2 : vector<64x8x128xf32>, i32 -> vector<64x8x128xf32>
      %sub3A_207 = arith.constant 128 : i32
      %sub3A_208 = arith.subi %sub3A_207, %shift_right_arithmetic3A_201 : i32
      %roll3A_209 = tpu.dynamic_rotate %scan3A_199 by %sub3A_208 dim 2 : vector<64x8x128xf32>, i32 -> vector<64x8x128xf32>
      %select_n3A_210 = arith.select %ne3A_206, %roll3A, %roll3A_209 : vector<64x8x128xi1>, vector<64x8x128xf32>
      %roll3A_211 = tpu.dynamic_rotate %scan3A_200 by %shift_right_arithmetic3A_201 dim 2 : vector<64x8x128xi32>, i32 -> vector<64x8x128xi32>
      %sub3A_212 = arith.constant 128 : i32
      %sub3A_213 = arith.subi %sub3A_212, %shift_right_arithmetic3A_201 : i32
      %roll3A_214 = tpu.dynamic_rotate %scan3A_200 by %sub3A_213 dim 2 : vector<64x8x128xi32>, i32 -> vector<64x8x128xi32>
      %select_n3A_215 = arith.select %ne3A_206, %roll3A_211, %roll3A_214 : vector<64x8x128xi1>, vector<64x8x128xi32>
      %lt3A_216 = arith.cmpf olt, %select_n3A_210, %scan3A_199 : vector<64x8x128xf32>
      %eq3A_217 = arith.cmpf oeq, %select_n3A_210, %scan3A_199 : vector<64x8x128xf32>
      %lt3A_218 = arith.cmpi slt, %select_n3A_215, %scan3A_200 : vector<64x8x128xi32>
      %and3A_219 = arith.andi %eq3A_217, %lt3A_218 : vector<64x8x128xi1>
      %or3A_220 = arith.ori %lt3A_216, %and3A_219 : vector<64x8x128xi1>
      %xor3A = arith.xori %or3A_220, %ne3A_206 : vector<64x8x128xi1>
      %xor3A_221 = arith.xori %xor3A, %ge3A_112 : vector<64x8x128xi1>
      %select_n3A_222 = arith.select %xor3A_221, %select_n3A_210, %scan3A_199 : vector<64x8x128xi1>, vector<64x8x128xf32>
      %select_n3A_223 = arith.select %xor3A_221, %select_n3A_215, %scan3A_200 : vector<64x8x128xi1>, vector<64x8x128xi32>
      scf.yield %select_n3A_222, %select_n3A_223 : vector<64x8x128xf32>, vector<64x8x128xi32>
    }
    %scan3A_118 = arith.constant 7 : i32
    %slice3A_119 = vector.extract_strided_slice %scan3A_117#0 {offsets = [0, 0, 0], sizes = [64, 4, 128], strides = [1, 1, 1]} : vector<64x8x128xf32> to vector<64x4x128xf32>
    %slice3A_120 = vector.extract_strided_slice %scan3A_117#1 {offsets = [0, 0, 0], sizes = [64, 4, 128], strides = [1, 1, 1]} : vector<64x8x128xi32> to vector<64x4x128xi32>
    %slice3A_121 = vector.extract_strided_slice %scan3A_117#0 {offsets = [0, 4, 0], sizes = [64, 4, 128], strides = [1, 1, 1]} : vector<64x8x128xf32> to vector<64x4x128xf32>
    %slice3A_122 = vector.extract_strided_slice %scan3A_117#1 {offsets = [0, 4, 0], sizes = [64, 4, 128], strides = [1, 1, 1]} : vector<64x8x128xi32> to vector<64x4x128xi32>
    %lt3A_123 = arith.cmpf olt, %slice3A_121, %slice3A_119 : vector<64x4x128xf32>
    %eq3A_124 = arith.cmpf oeq, %slice3A_121, %slice3A_119 : vector<64x4x128xf32>
    %lt3A_125 = arith.cmpi slt, %slice3A_122, %slice3A_120 : vector<64x4x128xi32>
    %and3A_126 = arith.andi %eq3A_124, %lt3A_125 : vector<64x4x128xi1>
    %or3A_127 = arith.ori %lt3A_123, %and3A_126 : vector<64x4x128xi1>
    %select_n3A_128 = arith.select %or3A_127, %slice3A_121, %slice3A_119 : vector<64x4x128xi1>, vector<64x4x128xf32>
    %select_n3A_129 = arith.select %or3A_127, %slice3A_122, %slice3A_120 : vector<64x4x128xi1>, vector<64x4x128xi32>
    %iota3A_130 = tpu.iota {dimensions = array<i32: 1>} : vector<64x4x128xi32>
    %ge3A_131 = arith.constant 2 : i32
    %ge3A_132 = vector.broadcast %ge3A_131 : i32 to vector<64x4x128xi32>
    %ge3A_133 = arith.cmpi sge, %iota3A_130, %ge3A_132 : vector<64x4x128xi32>
    %scan3A_134 = arith.constant 0 : i32
    %scan3A_135 = arith.constant 7 : i32
    %scan3A_136 = arith.addi %scan3A_134, %scan3A_135 : i32
    %scan3A_137 = arith.constant 1 : i32
    %scan3A_138:2 = scf.for %scan3A_198 = %scan3A_134 to %scan3A_136 step %scan3A_137 iter_args(%scan3A_199 = %select_n3A_128, %scan3A_200 = %select_n3A_129) -> (vector<64x4x128xf32>, vector<64x4x128xi32>)  : i32 {
      %shift_right_arithmetic3A = arith.constant 64 : i32
      %shift_right_arithmetic3A_201 = arith.shrsi %shift_right_arithmetic3A, %scan3A_198 : i32
      %iota3A_202 = tpu.iota {dimensions = array<i32: 2>} : vector<64x4x128xi32>
      %and3A_203 = vector.broadcast %shift_right_arithmetic3A_201 : i32 to vector<64x4x128xi32>
      %and3A_204 = arith.andi %iota3A_202, %and3A_203 : vector<64x4x128xi32>
      %ne3A = arith.constant 0 : i32
      %ne3A_205 = vector.broadcast %ne3A : i32 to vector<64x4x128xi32>
      %ne3A_206 = arith.cmpi ne, %and3A_204, %ne3A_205 : vector<64x4x128xi32>
      %roll3A = tpu.dynamic_rotate %scan3A_199 by %shift_right_arithmetic3A_201 dim 2 : vector<64x4x128xf32>, i32 -> vector<64x4x128xf32>
      %sub3A_207 = arith.constant 128 : i32
      %sub3A_208 = arith.subi %sub3A_207, %shift_right_arithmetic3A_201 : i32
      %roll3A_209 = tpu.dynamic_rotate %scan3A_199 by %sub3A_208 dim 2 : vector<64x4x128xf32>, i32 -> vector<64x4x128xf32>
      %select_n3A_210 = arith.select %ne3A_206, %roll3A, %roll3A_209 : vector<64x4x128xi1>, vector<64x4x128xf32>
      %roll3A_211 = tpu.dynamic_rotate %scan3A_200 by %shift_right_arithmetic3A_201 dim 2 : vector<64x4x128xi32>, i32 -> vector<64x4x128xi32>
      %sub3A_212 = arith.constant 128 : i32
      %sub3A_213 = arith.subi %sub3A_212, %shift_right_arithmetic3A_201 : i32
      %roll3A_214 = tpu.dynamic_rotate %scan3A_200 by %sub3A_213 dim 2 : vector<64x4x128xi32>, i32 -> vector<64x4x128xi32>
      %select_n3A_215 = arith.select %ne3A_206, %roll3A_211, %roll3A_214 : vector<64x4x128xi1>, vector<64x4x128xi32>
      %lt3A_216 = arith.cmpf olt, %select_n3A_210, %scan3A_199 : vector<64x4x128xf32>
      %eq3A_217 = arith.cmpf oeq, %select_n3A_210, %scan3A_199 : vector<64x4x128xf32>
      %lt3A_218 = arith.cmpi slt, %select_n3A_215, %scan3A_200 : vector<64x4x128xi32>
      %and3A_219 = arith.andi %eq3A_217, %lt3A_218 : vector<64x4x128xi1>
      %or3A_220 = arith.ori %lt3A_216, %and3A_219 : vector<64x4x128xi1>
      %xor3A = arith.xori %or3A_220, %ne3A_206 : vector<64x4x128xi1>
      %xor3A_221 = arith.xori %xor3A, %ge3A_133 : vector<64x4x128xi1>
      %select_n3A_222 = arith.select %xor3A_221, %select_n3A_210, %scan3A_199 : vector<64x4x128xi1>, vector<64x4x128xf32>
      %select_n3A_223 = arith.select %xor3A_221, %select_n3A_215, %scan3A_200 : vector<64x4x128xi1>, vector<64x4x128xi32>
      scf.yield %select_n3A_222, %select_n3A_223 : vector<64x4x128xf32>, vector<64x4x128xi32>
    }
    %scan3A_139 = arith.constant 7 : i32
    %slice3A_140 = vector.extract_strided_slice %scan3A_138#0 {offsets = [0, 0, 0], sizes = [64, 2, 128], strides = [1, 1, 1]} : vector<64x4x128xf32> to vector<64x2x128xf32>
    %slice3A_141 = vector.extract_strided_slice %scan3A_138#1 {offsets = [0, 0, 0], sizes = [64, 2, 128], strides = [1, 1, 1]} : vector<64x4x128xi32> to vector<64x2x128xi32>
    %slice3A_142 = vector.extract_strided_slice %scan3A_138#0 {offsets = [0, 2, 0], sizes = [64, 2, 128], strides = [1, 1, 1]} : vector<64x4x128xf32> to vector<64x2x128xf32>
    %slice3A_143 = vector.extract_strided_slice %scan3A_138#1 {offsets = [0, 2, 0], sizes = [64, 2, 128], strides = [1, 1, 1]} : vector<64x4x128xi32> to vector<64x2x128xi32>
    %lt3A_144 = arith.cmpf olt, %slice3A_142, %slice3A_140 : vector<64x2x128xf32>
    %eq3A_145 = arith.cmpf oeq, %slice3A_142, %slice3A_140 : vector<64x2x128xf32>
    %lt3A_146 = arith.cmpi slt, %slice3A_143, %slice3A_141 : vector<64x2x128xi32>
    %and3A_147 = arith.andi %eq3A_145, %lt3A_146 : vector<64x2x128xi1>
    %or3A_148 = arith.ori %lt3A_144, %and3A_147 : vector<64x2x128xi1>
    %select_n3A_149 = arith.select %or3A_148, %slice3A_142, %slice3A_140 : vector<64x2x128xi1>, vector<64x2x128xf32>
    %select_n3A_150 = arith.select %or3A_148, %slice3A_143, %slice3A_141 : vector<64x2x128xi1>, vector<64x2x128xi32>
    %iota3A_151 = tpu.iota {dimensions = array<i32: 1>} : vector<64x2x128xi32>
    %ge3A_152 = arith.constant 1 : i32
    %ge3A_153 = vector.broadcast %ge3A_152 : i32 to vector<64x2x128xi32>
    %ge3A_154 = arith.cmpi sge, %iota3A_151, %ge3A_153 : vector<64x2x128xi32>
    %scan3A_155 = arith.constant 0 : i32
    %scan3A_156 = arith.constant 7 : i32
    %scan3A_157 = arith.addi %scan3A_155, %scan3A_156 : i32
    %scan3A_158 = arith.constant 1 : i32
    %scan3A_159:2 = scf.for %scan3A_198 = %scan3A_155 to %scan3A_157 step %scan3A_158 iter_args(%scan3A_199 = %select_n3A_149, %scan3A_200 = %select_n3A_150) -> (vector<64x2x128xf32>, vector<64x2x128xi32>)  : i32 {
      %shift_right_arithmetic3A = arith.constant 64 : i32
      %shift_right_arithmetic3A_201 = arith.shrsi %shift_right_arithmetic3A, %scan3A_198 : i32
      %iota3A_202 = tpu.iota {dimensions = array<i32: 2>} : vector<64x2x128xi32>
      %and3A_203 = vector.broadcast %shift_right_arithmetic3A_201 : i32 to vector<64x2x128xi32>
      %and3A_204 = arith.andi %iota3A_202, %and3A_203 : vector<64x2x128xi32>
      %ne3A = arith.constant 0 : i32
      %ne3A_205 = vector.broadcast %ne3A : i32 to vector<64x2x128xi32>
      %ne3A_206 = arith.cmpi ne, %and3A_204, %ne3A_205 : vector<64x2x128xi32>
      %roll3A = tpu.dynamic_rotate %scan3A_199 by %shift_right_arithmetic3A_201 dim 2 : vector<64x2x128xf32>, i32 -> vector<64x2x128xf32>
      %sub3A_207 = arith.constant 128 : i32
      %sub3A_208 = arith.subi %sub3A_207, %shift_right_arithmetic3A_201 : i32
      %roll3A_209 = tpu.dynamic_rotate %scan3A_199 by %sub3A_208 dim 2 : vector<64x2x128xf32>, i32 -> vector<64x2x128xf32>
      %select_n3A_210 = arith.select %ne3A_206, %roll3A, %roll3A_209 : vector<64x2x128xi1>, vector<64x2x128xf32>
      %roll3A_211 = tpu.dynamic_rotate %scan3A_200 by %shift_right_arithmetic3A_201 dim 2 : vector<64x2x128xi32>, i32 -> vector<64x2x128xi32>
      %sub3A_212 = arith.constant 128 : i32
      %sub3A_213 = arith.subi %sub3A_212, %shift_right_arithmetic3A_201 : i32
      %roll3A_214 = tpu.dynamic_rotate %scan3A_200 by %sub3A_213 dim 2 : vector<64x2x128xi32>, i32 -> vector<64x2x128xi32>
      %select_n3A_215 = arith.select %ne3A_206, %roll3A_211, %roll3A_214 : vector<64x2x128xi1>, vector<64x2x128xi32>
      %lt3A_216 = arith.cmpf olt, %select_n3A_210, %scan3A_199 : vector<64x2x128xf32>
      %eq3A_217 = arith.cmpf oeq, %select_n3A_210, %scan3A_199 : vector<64x2x128xf32>
      %lt3A_218 = arith.cmpi slt, %select_n3A_215, %scan3A_200 : vector<64x2x128xi32>
      %and3A_219 = arith.andi %eq3A_217, %lt3A_218 : vector<64x2x128xi1>
      %or3A_220 = arith.ori %lt3A_216, %and3A_219 : vector<64x2x128xi1>
      %xor3A = arith.xori %or3A_220, %ne3A_206 : vector<64x2x128xi1>
      %xor3A_221 = arith.xori %xor3A, %ge3A_154 : vector<64x2x128xi1>
      %select_n3A_222 = arith.select %xor3A_221, %select_n3A_210, %scan3A_199 : vector<64x2x128xi1>, vector<64x2x128xf32>
      %select_n3A_223 = arith.select %xor3A_221, %select_n3A_215, %scan3A_200 : vector<64x2x128xi1>, vector<64x2x128xi32>
      scf.yield %select_n3A_222, %select_n3A_223 : vector<64x2x128xf32>, vector<64x2x128xi32>
    }
    %scan3A_160 = arith.constant 7 : i32
    %slice3A_161 = vector.extract_strided_slice %scan3A_159#0 {offsets = [0, 0, 0], sizes = [64, 1, 128], strides = [1, 1, 1]} : vector<64x2x128xf32> to vector<64x1x128xf32>
    %slice3A_162 = vector.extract_strided_slice %scan3A_159#1 {offsets = [0, 0, 0], sizes = [64, 1, 128], strides = [1, 1, 1]} : vector<64x2x128xi32> to vector<64x1x128xi32>
    %slice3A_163 = vector.extract_strided_slice %scan3A_159#0 {offsets = [0, 1, 0], sizes = [64, 1, 128], strides = [1, 1, 1]} : vector<64x2x128xf32> to vector<64x1x128xf32>
    %slice3A_164 = vector.extract_strided_slice %scan3A_159#1 {offsets = [0, 1, 0], sizes = [64, 1, 128], strides = [1, 1, 1]} : vector<64x2x128xi32> to vector<64x1x128xi32>
    %lt3A_165 = arith.cmpf olt, %slice3A_163, %slice3A_161 : vector<64x1x128xf32>
    %eq3A_166 = arith.cmpf oeq, %slice3A_163, %slice3A_161 : vector<64x1x128xf32>
    %lt3A_167 = arith.cmpi slt, %slice3A_164, %slice3A_162 : vector<64x1x128xi32>
    %and3A_168 = arith.andi %eq3A_166, %lt3A_167 : vector<64x1x128xi1>
    %or3A_169 = arith.ori %lt3A_165, %and3A_168 : vector<64x1x128xi1>
    %select_n3A_170 = arith.select %or3A_169, %slice3A_163, %slice3A_161 : vector<64x1x128xi1>, vector<64x1x128xf32>
    %select_n3A_171 = arith.select %or3A_169, %slice3A_164, %slice3A_162 : vector<64x1x128xi1>, vector<64x1x128xi32>
    %broadcast_in_dim3A_172 = arith.constant false
    %broadcast_in_dim3A_173 = vector.broadcast %broadcast_in_dim3A_172 : i1 to vector<64x1x128xi1>
    %scan3A_174 = arith.constant 0 : i32
    %scan3A_175 = arith.constant 7 : i32
    %scan3A_176 = arith.addi %scan3A_174, %scan3A_175 : i32
    %scan3A_177 = arith.constant 1 : i32
    %scan3A_178:2 = scf.for %scan3A_198 = %scan3A_174 to %scan3A_176 step %scan3A_177 iter_args(%scan3A_199 = %select_n3A_170, %scan3A_200 = %select_n3A_171) -> (vector<64x1x128xf32>, vector<64x1x128xi32>)  : i32 {
      %shift_right_arithmetic3A = arith.constant 64 : i32
      %shift_right_arithmetic3A_201 = arith.shrsi %shift_right_arithmetic3A, %scan3A_198 : i32
      %iota3A_202 = tpu.iota {dimensions = array<i32: 2>} : vector<64x1x128xi32>
      %and3A_203 = vector.broadcast %shift_right_arithmetic3A_201 : i32 to vector<64x1x128xi32>
      %and3A_204 = arith.andi %iota3A_202, %and3A_203 : vector<64x1x128xi32>
      %ne3A = arith.constant 0 : i32
      %ne3A_205 = vector.broadcast %ne3A : i32 to vector<64x1x128xi32>
      %ne3A_206 = arith.cmpi ne, %and3A_204, %ne3A_205 : vector<64x1x128xi32>
      %roll3A = tpu.dynamic_rotate %scan3A_199 by %shift_right_arithmetic3A_201 dim 2 : vector<64x1x128xf32>, i32 -> vector<64x1x128xf32>
      %sub3A_207 = arith.constant 128 : i32
      %sub3A_208 = arith.subi %sub3A_207, %shift_right_arithmetic3A_201 : i32
      %roll3A_209 = tpu.dynamic_rotate %scan3A_199 by %sub3A_208 dim 2 : vector<64x1x128xf32>, i32 -> vector<64x1x128xf32>
      %select_n3A_210 = arith.select %ne3A_206, %roll3A, %roll3A_209 : vector<64x1x128xi1>, vector<64x1x128xf32>
      %roll3A_211 = tpu.dynamic_rotate %scan3A_200 by %shift_right_arithmetic3A_201 dim 2 : vector<64x1x128xi32>, i32 -> vector<64x1x128xi32>
      %sub3A_212 = arith.constant 128 : i32
      %sub3A_213 = arith.subi %sub3A_212, %shift_right_arithmetic3A_201 : i32
      %roll3A_214 = tpu.dynamic_rotate %scan3A_200 by %sub3A_213 dim 2 : vector<64x1x128xi32>, i32 -> vector<64x1x128xi32>
      %select_n3A_215 = arith.select %ne3A_206, %roll3A_211, %roll3A_214 : vector<64x1x128xi1>, vector<64x1x128xi32>
      %lt3A_216 = arith.cmpf olt, %select_n3A_210, %scan3A_199 : vector<64x1x128xf32>
      %eq3A_217 = arith.cmpf oeq, %select_n3A_210, %scan3A_199 : vector<64x1x128xf32>
      %lt3A_218 = arith.cmpi slt, %select_n3A_215, %scan3A_200 : vector<64x1x128xi32>
      %and3A_219 = arith.andi %eq3A_217, %lt3A_218 : vector<64x1x128xi1>
      %or3A_220 = arith.ori %lt3A_216, %and3A_219 : vector<64x1x128xi1>
      %xor3A = arith.xori %or3A_220, %ne3A_206 : vector<64x1x128xi1>
      %xor3A_221 = arith.xori %xor3A, %broadcast_in_dim3A_173 : vector<64x1x128xi1>
      %select_n3A_222 = arith.select %xor3A_221, %select_n3A_210, %scan3A_199 : vector<64x1x128xi1>, vector<64x1x128xf32>
      %select_n3A_223 = arith.select %xor3A_221, %select_n3A_215, %scan3A_200 : vector<64x1x128xi1>, vector<64x1x128xi32>
      scf.yield %select_n3A_222, %select_n3A_223 : vector<64x1x128xf32>, vector<64x1x128xi32>
    }
    %scan3A_179 = arith.constant 7 : i32
    %squeeze3A = vector.shape_cast %scan3A_178#1 : vector<64x1x128xi32> to vector<64x128xi32>
    %swap3A = arith.constant 0 : index
    %swap3A_180 = arith.constant 0 : index
    %swap3A_181 = arith.constant 0 : index
    %swap3A_182 = vector.load %arg4[%swap3A, %swap3A_180, %swap3A_181] : memref<1x64x128xi32, #tpu.memory_space<vmem>>, vector<1x64x128xi32>
    %swap3A_183 = vector.shape_cast %swap3A_182 : vector<1x64x128xi32> to vector<64x128xi32>
    %swap3A_184 = vector.shape_cast %squeeze3A : vector<64x128xi32> to vector<1x64x128xi32>
    tpu.vector_store %arg4[%swap3A, %swap3A_180, %swap3A_181], %swap3A_184 {strides = array<i32>} : memref<1x64x128xi32, #tpu.memory_space<vmem>>, vector<1x64x128xi32>,
    %squeeze3A_185 = vector.shape_cast %scan3A_178#0 : vector<64x1x128xf32> to vector<64x128xf32>
    %sqrt3A = math.sqrt %squeeze3A_185 : vector<64x128xf32>
    %le3A = arith.constant 4.000000e-01 : f32
    %le3A_186 = vector.broadcast %le3A : f32 to vector<64x128xf32>
    %le3A_187 = arith.cmpf ole, %sqrt3A, %le3A_186 : vector<64x128xf32>
    %jit3A = arith.constant 0.000000e+00 : f32
    %jit3A_188 = arith.constant -1.000000e+08 : f32
    %broadcast_in_dim3A_189 = vector.broadcast %jit3A : f32 to vector<64x128xf32>
    %broadcast_in_dim3A_190 = vector.broadcast %jit3A_188 : f32 to vector<64x128xf32>
    %select_n3A_191 = arith.select %le3A_187, %broadcast_in_dim3A_189, %broadcast_in_dim3A_190 : vector<64x128xi1>, vector<64x128xf32>
    %swap3A_192 = arith.constant 0 : index
    %swap3A_193 = arith.constant 0 : index
    %swap3A_194 = arith.constant 0 : index
    %swap3A_195 = vector.load %arg5[%swap3A_192, %swap3A_193, %swap3A_194] : memref<1x64x128xf32, #tpu.memory_space<vmem>>, vector<1x64x128xf32>
    %swap3A_196 = vector.shape_cast %swap3A_195 : vector<1x64x128xf32> to vector<64x128xf32>
    %swap3A_197 = vector.shape_cast %select_n3A_191 : vector<64x128xf32> to vector<1x64x128xf32>
    tpu.vector_store %arg5[%swap3A_192, %swap3A_193, %swap3A_194], %swap3A_197 {strides = array<i32>} : memref<1x64x128xf32, #tpu.memory_space<vmem>>, vector<1x64x128xf32>,
    return
  }
  func.func @transform_0(%arg0: i32, %arg1: i32) -> (i32, i32, i32, i32) {
    %c0_i32 = arith.constant 0 : i32
    %c0_i32_0 = arith.constant 0 : i32
    %c0_i32_1 = arith.constant 0 : i32
    %c0_i32_2 = arith.constant 0 : i32
    return %arg0, %c0_i32, %c0_i32_0, %c0_i32_1 : i32, i32, i32, i32
  }
  func.func @transform_1(%arg0: i32, %arg1: i32) -> (i32, i32, i32) {
    %c0_i32 = arith.constant 0 : i32
    %c0_i32_0 = arith.constant 0 : i32
    return %arg0, %arg1, %c0_i32 : i32, i32, i32
  }
  func.func @transform_2(%arg0: i32, %arg1: i32) -> (i32, i32, i32) {
    %c0_i32 = arith.constant 0 : i32
    %c0_i32_0 = arith.constant 0 : i32
    return %arg0, %arg1, %c0_i32 : i32, i32, i32
  }
  func.func @transform_3(%arg0: i32, %arg1: i32) -> (i32, i32, i32) {
    %c0_i32 = arith.constant 0 : i32
    %c0_i32_0 = arith.constant 0 : i32
    return %arg0, %arg1, %c0_i32 : i32, i32, i32
  }
}

module attributes {stable_mosaic.version = 14 : i64} {
  func.func @_stage2_kernel(%arg0: i32, %arg1: i32, %arg2: memref<1x1024x131xf32, #tpu.memory_space<vmem>>, %arg3: memref<131x128xf32, #tpu.memory_space<vmem>>, %arg4: memref<2x128xf32, #tpu.memory_space<vmem>>, %arg5: memref<128x128xf32, #tpu.memory_space<vmem>>, %arg6: memref<2x128xf32, #tpu.memory_space<vmem>>, %arg7: memref<128x1024xf32, #tpu.memory_space<vmem>>, %arg8: memref<2x1024xf32, #tpu.memory_space<vmem>>, %arg9: memref<1x1x1024xf32, #tpu.memory_space<vmem>>) attributes {dimension_semantics = [#tpu.dimension_semantics<arbitrary>, #tpu.dimension_semantics<arbitrary>], iteration_bounds = array<i64: 2, 4>, scalar_prefetch = 0 : i64, scratch_operands = 0 : i64, tpu.core_type = #tpu.core_type<tc>, window_params = [{transform_indices = @transform_0, window_bounds = array<i64: 1, 1024, 131>}, {pipeline_mode = #tpu.pipeline_mode<synchronous>, transform_indices = @transform_1, window_bounds = array<i64: 131, 128>}, {pipeline_mode = #tpu.pipeline_mode<synchronous>, transform_indices = @transform_2, window_bounds = array<i64: 2, 128>}, {pipeline_mode = #tpu.pipeline_mode<synchronous>, transform_indices = @transform_3, window_bounds = array<i64: 128, 128>}, {pipeline_mode = #tpu.pipeline_mode<synchronous>, transform_indices = @transform_4, window_bounds = array<i64: 2, 128>}, {pipeline_mode = #tpu.pipeline_mode<synchronous>, transform_indices = @transform_5, window_bounds = array<i64: 128, 1024>}, {pipeline_mode = #tpu.pipeline_mode<synchronous>, transform_indices = @transform_6, window_bounds = array<i64: 2, 1024>}, {transform_indices = @transform_7, window_bounds = array<i64: 1, 1, 1024>}]} {
    %get3A = arith.constant 0 : index
    %get3A_0 = arith.constant 0 : index
    %get3A_1 = arith.constant 0 : index
    %get3A_2 = vector.load %arg2[%get3A, %get3A_0, %get3A_1] : memref<1x1024x131xf32, #tpu.memory_space<vmem>>, vector<1x1024x131xf32>
    %get3A_3 = vector.shape_cast %get3A_2 : vector<1x1024x131xf32> to vector<1024x131xf32>
    %sqrt3A = arith.constant 1.000010e+00 : f32
    %sqrt3A_4 = math.sqrt %sqrt3A : f32
    %div3A = arith.constant 1.000000e+00 : f32
    %div3A_5 = arith.divf %div3A, %sqrt3A_4 : f32
    %get3A_6 = arith.constant 0 : index
    %get3A_7 = arith.constant 0 : index
    %get3A_8 = vector.load %arg3[%get3A_6, %get3A_7] : memref<131x128xf32, #tpu.memory_space<vmem>>, vector<131x128xf32>
    %dot_general3A = arith.constant dense<0.000000e+00> : vector<1024x128xf32>
    %dot_general3A_9 = tpu.matmul %get3A_3, %get3A_8, %dot_general3A {dimension_numbers = #tpu.dot_dimension_numbers<[1], [0], [0], [1], [0, 0, 1, 1], [], []>, transpose_lhs_hint = false} : vector<1024x131xf32>, vector<131x128xf32>, vector<1024x128xf32> -> vector<1024x128xf32>
    %mul3A = vector.broadcast %div3A_5 : f32 to vector<1024x128xf32>
    %mul3A_10 = arith.mulf %dot_general3A_9, %mul3A : vector<1024x128xf32>
    %get3A_11 = arith.constant 0 : index
    %get3A_12 = arith.constant 0 : index
    %get3A_13 = vector.load %arg4[%get3A_11, %get3A_12] : memref<2x128xf32, #tpu.memory_space<vmem>>, vector<1x128xf32>
    %get3A_14 = vector.shape_cast %get3A_13 : vector<1x128xf32> to vector<128xf32>
    %broadcast_in_dim3A = vector.shape_cast %get3A_14 : vector<128xf32> to vector<1x128xf32>
    %mul3A_15 = vector.broadcast %broadcast_in_dim3A : vector<1x128xf32> to vector<1024x128xf32>
    %mul3A_16 = arith.mulf %mul3A_10, %mul3A_15 : vector<1024x128xf32>
    %get3A_17 = arith.constant 1 : index
    %get3A_18 = arith.constant 0 : index
    %get3A_19 = vector.load %arg4[%get3A_17, %get3A_18] : memref<2x128xf32, #tpu.memory_space<vmem>>, vector<1x128xf32>
    %get3A_20 = vector.shape_cast %get3A_19 : vector<1x128xf32> to vector<128xf32>
    %broadcast_in_dim3A_21 = vector.shape_cast %get3A_20 : vector<128xf32> to vector<1x128xf32>
    %add3A = vector.broadcast %broadcast_in_dim3A_21 : vector<1x128xf32> to vector<1024x128xf32>
    %add3A_22 = arith.addf %mul3A_16, %add3A : vector<1024x128xf32>
    %max3A = arith.constant 0.000000e+00 : f32
    %max3A_23 = vector.broadcast %max3A : f32 to vector<1024x128xf32>
    %max3A_24 = arith.maximumf %add3A_22, %max3A_23 : vector<1024x128xf32>
    %get3A_25 = arith.constant 0 : index
    %get3A_26 = arith.constant 0 : index
    %get3A_27 = vector.load %arg5[%get3A_25, %get3A_26] : memref<128x128xf32, #tpu.memory_space<vmem>>, vector<128x128xf32>
    %dot_general3A_28 = arith.constant dense<0.000000e+00> : vector<1024x128xf32>
    %dot_general3A_29 = tpu.matmul %max3A_24, %get3A_27, %dot_general3A_28 {dimension_numbers = #tpu.dot_dimension_numbers<[1], [0], [0], [1], [0, 0, 1, 1], [], []>, transpose_lhs_hint = false} : vector<1024x128xf32>, vector<128x128xf32>, vector<1024x128xf32> -> vector<1024x128xf32>
    %mul3A_30 = vector.broadcast %div3A_5 : f32 to vector<1024x128xf32>
    %mul3A_31 = arith.mulf %dot_general3A_29, %mul3A_30 : vector<1024x128xf32>
    %get3A_32 = arith.constant 0 : index
    %get3A_33 = arith.constant 0 : index
    %get3A_34 = vector.load %arg6[%get3A_32, %get3A_33] : memref<2x128xf32, #tpu.memory_space<vmem>>, vector<1x128xf32>
    %get3A_35 = vector.shape_cast %get3A_34 : vector<1x128xf32> to vector<128xf32>
    %broadcast_in_dim3A_36 = vector.shape_cast %get3A_35 : vector<128xf32> to vector<1x128xf32>
    %mul3A_37 = vector.broadcast %broadcast_in_dim3A_36 : vector<1x128xf32> to vector<1024x128xf32>
    %mul3A_38 = arith.mulf %mul3A_31, %mul3A_37 : vector<1024x128xf32>
    %get3A_39 = arith.constant 1 : index
    %get3A_40 = arith.constant 0 : index
    %get3A_41 = vector.load %arg6[%get3A_39, %get3A_40] : memref<2x128xf32, #tpu.memory_space<vmem>>, vector<1x128xf32>
    %get3A_42 = vector.shape_cast %get3A_41 : vector<1x128xf32> to vector<128xf32>
    %broadcast_in_dim3A_43 = vector.shape_cast %get3A_42 : vector<128xf32> to vector<1x128xf32>
    %add3A_44 = vector.broadcast %broadcast_in_dim3A_43 : vector<1x128xf32> to vector<1024x128xf32>
    %add3A_45 = arith.addf %mul3A_38, %add3A_44 : vector<1024x128xf32>
    %max3A_46 = arith.constant 0.000000e+00 : f32
    %max3A_47 = vector.broadcast %max3A_46 : f32 to vector<1024x128xf32>
    %max3A_48 = arith.maximumf %add3A_45, %max3A_47 : vector<1024x128xf32>
    %get3A_49 = arith.constant 0 : index
    %get3A_50 = arith.constant 0 : index
    %get3A_51 = vector.load %arg7[%get3A_49, %get3A_50] : memref<128x1024xf32, #tpu.memory_space<vmem>>, vector<128x1024xf32>
    %dot_general3A_52 = arith.constant dense<0.000000e+00> : vector<1024x1024xf32>
    %dot_general3A_53 = tpu.matmul %max3A_48, %get3A_51, %dot_general3A_52 {dimension_numbers = #tpu.dot_dimension_numbers<[1], [0], [0], [1], [0, 0, 1, 1], [], []>, transpose_lhs_hint = false} : vector<1024x128xf32>, vector<128x1024xf32>, vector<1024x1024xf32> -> vector<1024x1024xf32>
    %mul3A_54 = vector.broadcast %div3A_5 : f32 to vector<1024x1024xf32>
    %mul3A_55 = arith.mulf %dot_general3A_53, %mul3A_54 : vector<1024x1024xf32>
    %get3A_56 = arith.constant 0 : index
    %get3A_57 = arith.constant 0 : index
    %get3A_58 = vector.load %arg8[%get3A_56, %get3A_57] : memref<2x1024xf32, #tpu.memory_space<vmem>>, vector<1x1024xf32>
    %get3A_59 = vector.shape_cast %get3A_58 : vector<1x1024xf32> to vector<1024xf32>
    %broadcast_in_dim3A_60 = vector.shape_cast %get3A_59 : vector<1024xf32> to vector<1x1024xf32>
    %mul3A_61 = vector.broadcast %broadcast_in_dim3A_60 : vector<1x1024xf32> to vector<1024x1024xf32>
    %mul3A_62 = arith.mulf %mul3A_55, %mul3A_61 : vector<1024x1024xf32>
    %get3A_63 = arith.constant 1 : index
    %get3A_64 = arith.constant 0 : index
    %get3A_65 = vector.load %arg8[%get3A_63, %get3A_64] : memref<2x1024xf32, #tpu.memory_space<vmem>>, vector<1x1024xf32>
    %get3A_66 = vector.shape_cast %get3A_65 : vector<1x1024xf32> to vector<1024xf32>
    %broadcast_in_dim3A_67 = vector.shape_cast %get3A_66 : vector<1024xf32> to vector<1x1024xf32>
    %add3A_68 = vector.broadcast %broadcast_in_dim3A_67 : vector<1x1024xf32> to vector<1024x1024xf32>
    %add3A_69 = arith.addf %mul3A_62, %add3A_68 : vector<1024x1024xf32>
    %max3A_70 = arith.constant 0.000000e+00 : f32
    %max3A_71 = vector.broadcast %max3A_70 : f32 to vector<1024x1024xf32>
    %max3A_72 = arith.maximumf %add3A_69, %max3A_71 : vector<1024x1024xf32>
    %reduce_max3A = arith.constant dense<0xFF800000> : vector<1024xf32>
    %reduce_max3A_73 = vector.multi_reduction <maximumf>, %max3A_72, %reduce_max3A [0] : vector<1024x1024xf32> to vector<1024xf32>
    %broadcast_in_dim3A_74 = vector.shape_cast %reduce_max3A_73 : vector<1024xf32> to vector<1x1024xf32>
    %broadcast_in_dim3A_75 = vector.shape_cast %broadcast_in_dim3A_74 : vector<1x1024xf32> to vector<1x1x1024xf32>
    %eq3A = arith.constant 0 : i32
    %eq3A_76 = arith.cmpi eq, %arg1, %eq3A : i32
    %convert_element_type3A = arith.extui %eq3A_76 : i1 to i32
    %cond3A = arith.constant 0 : i32
    %cond3A_77 = arith.cmpi ne, %convert_element_type3A, %cond3A : i32
    scf.if %cond3A_77 {
      %swap3A = arith.constant 0 : index
      %swap3A_82 = arith.constant 0 : index
      %swap3A_83 = arith.constant 0 : index
      %swap3A_84 = vector.load %arg9[%swap3A, %swap3A_82, %swap3A_83] : memref<1x1x1024xf32, #tpu.memory_space<vmem>>, vector<1x1x1024xf32>
      tpu.vector_store %arg9[%swap3A, %swap3A_82, %swap3A_83], %broadcast_in_dim3A_75 {strides = array<i32>} : memref<1x1x1024xf32, #tpu.memory_space<vmem>>, vector<1x1x1024xf32>,
    } else {
    }
    %ne3A = arith.constant 0 : i32
    %ne3A_78 = arith.cmpi ne, %arg1, %ne3A : i32
    %convert_element_type3A_79 = arith.extui %ne3A_78 : i1 to i32
    %cond3A_80 = arith.constant 0 : i32
    %cond3A_81 = arith.cmpi ne, %convert_element_type3A_79, %cond3A_80 : i32
    scf.if %cond3A_81 {
      %get3A_82 = arith.constant 0 : index
      %get3A_83 = arith.constant 0 : index
      %get3A_84 = arith.constant 0 : index
      %get3A_85 = vector.load %arg9[%get3A_82, %get3A_83, %get3A_84] : memref<1x1x1024xf32, #tpu.memory_space<vmem>>, vector<1x1x1024xf32>
      %max3A_86 = arith.maximumf %get3A_85, %broadcast_in_dim3A_75 : vector<1x1x1024xf32>
      %swap3A = arith.constant 0 : index
      %swap3A_87 = arith.constant 0 : index
      %swap3A_88 = arith.constant 0 : index
      %swap3A_89 = vector.load %arg9[%swap3A, %swap3A_87, %swap3A_88] : memref<1x1x1024xf32, #tpu.memory_space<vmem>>, vector<1x1x1024xf32>
      tpu.vector_store %arg9[%swap3A, %swap3A_87, %swap3A_88], %max3A_86 {strides = array<i32>} : memref<1x1x1024xf32, #tpu.memory_space<vmem>>, vector<1x1x1024xf32>,
    } else {
    }
    return
  }
  func.func @transform_0(%arg0: i32, %arg1: i32) -> (i32, i32, i32) {
    %c0_i32 = arith.constant 0 : i32
    %c0_i32_0 = arith.constant 0 : i32
    return %arg0, %arg1, %c0_i32 : i32, i32, i32
  }
  func.func @transform_1(%arg0: i32, %arg1: i32) -> (i32, i32) {
    %c0_i32 = arith.constant 0 : i32
    %c0_i32_0 = arith.constant 0 : i32
    %c0_i32_1 = arith.constant 0 : i32
    return %c0_i32, %c0_i32_0 : i32, i32
  }
  func.func @transform_2(%arg0: i32, %arg1: i32) -> (i32, i32) {
    %c0_i32 = arith.constant 0 : i32
    %c0_i32_0 = arith.constant 0 : i32
    %c0_i32_1 = arith.constant 0 : i32
    return %c0_i32, %c0_i32_0 : i32, i32
  }
  func.func @transform_3(%arg0: i32, %arg1: i32) -> (i32, i32) {
    %c0_i32 = arith.constant 0 : i32
    %c0_i32_0 = arith.constant 0 : i32
    %c0_i32_1 = arith.constant 0 : i32
    return %c0_i32, %c0_i32_0 : i32, i32
  }
  func.func @transform_4(%arg0: i32, %arg1: i32) -> (i32, i32) {
    %c0_i32 = arith.constant 0 : i32
    %c0_i32_0 = arith.constant 0 : i32
    %c0_i32_1 = arith.constant 0 : i32
    return %c0_i32, %c0_i32_0 : i32, i32
  }
  func.func @transform_5(%arg0: i32, %arg1: i32) -> (i32, i32) {
    %c0_i32 = arith.constant 0 : i32
    %c0_i32_0 = arith.constant 0 : i32
    %c0_i32_1 = arith.constant 0 : i32
    return %c0_i32, %c0_i32_0 : i32, i32
  }
  func.func @transform_6(%arg0: i32, %arg1: i32) -> (i32, i32) {
    %c0_i32 = arith.constant 0 : i32
    %c0_i32_0 = arith.constant 0 : i32
    %c0_i32_1 = arith.constant 0 : i32
    return %c0_i32, %c0_i32_0 : i32, i32
  }
  func.func @transform_7(%arg0: i32, %arg1: i32) -> (i32, i32, i32) {
    %c0_i32 = arith.constant 0 : i32
    %c0_i32_0 = arith.constant 0 : i32
    %c0_i32_1 = arith.constant 0 : i32
    return %arg0, %c0_i32, %c0_i32_0 : i32, i32, i32
  }
}

</mosaic_0001>

<sc_bundles>
// kernel: gather_offload_async_start
scs
__scs_entry_jumppad:
0x0: {  	(pc) =	sbr.rel $0x88, $3  }
0x1: {  	(tag) =	ssettag $0x0;
	lr =	simm.s32 $0x1  }
0x2: {  	[smem:$0x3F87] =	sst lr;
	_ =	strace $0xD0000000  }
0x3: {  	_ = 	snop  }
0x4: {  	_ = 	snop  }
0x5: {  	_ = 	snop  }
0x6: {  	_ = 	snop  }
0x7: {  	_ = 	snop  }
__scs_overlays_trampoline_lowered:
0x8: {  	[smem:$0x3F96] =	sst s0  }
0x9: {  	[smem:$0x3F97] =	sst s1  }
0xa: {  	[smem:$0x3F98] =	sst s2  }
0xb: {  	[smem:$0x3F99] =	sst s3  }
0xc: {  	[smem:$0x3F9A] =	sst s4  }
0xd: {  	[smem:$0x3F9B] =	sst s5  }
0xe: {  	[smem:$0x3F9C] =	sst s6  }
0xf: {  	[smem:$0x3F9D] =	sst s7  }
0x10: {  	[smem:$0x3F9E] =	sst s8  }
0x11: {  	[smem:$0x3F9F] =	sst s9;
	s0 =	simm.s32 @!p0 $0x0  }
0x12: {  	s1 =	sld [smem:$0x3F85];
	s0 =	simm.s32 @p0 $0x1  }
0x13: {  	[smem:$0x3FA0] =	sst s0;
	s0 =	simm.s32 @!p1 $0x0  }
0x14: {  	s2 =	sld [smem:$0x3F84];
	s0 =	simm.s32 @p1 $0x1  }
0x15: {  	[smem:$0x3FA1] =	sst s0;
	s0 =	simm.s32 @!p2 $0x0  }
0x16: {  	s3 =	sld [smem:$0x3FDB];
	s0 =	simm.s32 @p2 $0x1  }
0x17: {  	s4 =	simm.s32 $0x1BF5;
	[smem:$0x3FA3] =	sst s0  }
0x18: {  	s0 =	sld [smem:$0x3F86];
	_ =	swait.ge [sflag:s4], $0x0  }
0x19: {  	s7 =	sld [smem:$0x3F87]  }
0x1a: {  	s8 =	sadd.s32 $0xFFFFE003, lr  }
0x1b: {  	s9 =	sadd.s32 $0xFFFFFEF7, lr;
	s5 =	simm.s32 $0xFFFFFFFF;
	p2 =	slt.u32 s8, $0xFFFFF086  }
0x1c: {  	p1 =	slt.u32 s9, $0xF7A;
	s5 =	simm.s32 @!p2 $0x0  }
0x1d: {  	s5 =	simm.s32 @p1 $0x1;
	p0 =	seq.s32 s7, s2  }
0x1e: {  	s7 =	smul.u32 @!p0 $0xF7A, s2;
	p2 =	seq.s32 @!p0 s5, $0x0  }
0x1f: {  	s9 =	smul.u32 $0xF7A, s1;
	s8 =	simm.s32 @!p0 $0x1BF5;
	p2 =	por !p2, p0  }
0x20: {  	[sflag:s8] =	ssyncset.s32 @!p0 $0xFFFFF086;
	s6 =	sadd.s32 @!p0 s3, s7;
	s7 =	simm.s32 @!p0 $0x108  }
0x21: {  	s3 =	sadd.s32 s3, s9;
	s6 =	sadd.s32 @!p0 $0x88, s6;
	s7 =	simm.s32 @p2 $0x1082  }
0x22: {  	[simem:s7], [sflag:s8] =	dma.local @!p0 [hbm:s6], $0xF7A  }
0x23: {  	s9 =	sor.u32 $0xD0000000, s2;
	s6 =	simm.s32 $0x108;
	_ =	swait.ge @!p0 [sflag:s8], $0x0  }
0x24: {  	s3 =	sadd.s32 $0x88, s3;
	s6 =	simm.s32 @!p1 $0x1082;
	[sflag:s4] =	ssyncset.s32 $0xFFFFF086  }
0x25: {  	[simem:s6], [sflag:s4] =	dma.local [hbm:s3], $0xF7A  }
0x26: {  	[smem:$0x3F87] =	sst s1;
	(tag) =	ssettag s2;
	_ =	strace s9  }
0x27: {  	s1 =	sld [smem:$0x3F97]  }
0x28: {  	s2 =	sld [smem:$0x3F98]  }
0x29: {  	s4 =	sld [smem:$0x3F9A]  }
0x2a: {  	p0 =	seq.s32 s5, $0x0;
	s5 =	sld [smem:$0x3F9B]  }
0x2b: {  	s6 =	sld [smem:$0x3F9C]  }
0x2c: {  	s7 =	sld [smem:$0x3F9D]  }
0x2d: {  	s3 =	simm.s32 $0x108;
	s8 =	sld [smem:$0x3F9E]  }
0x2e: {  	s3 =	simm.s32 @!p0 $0x1082;
	s9 =	sld [smem:$0x3F9F]  }
0x2f: {  	lr =	sadd.s32 s0, s3;
	s0 =	sld [smem:$0x3F96]  }
0x30: {  	s3 =	sld [smem:$0x3F99]  }
0x31: {  	[smem:$0x3FA2] =	sst s10  }
0x32: {  	s10 =	sld [smem:$0x3FA0];
	_ =	sdelay $0x3  }
0x33: {  	p0 =	seq.s32 s10, $0x1;
	s10 =	sld [smem:$0x3FA2];
	_ =	sdelay $0x3  }
0x34: {  	[smem:$0x3FA2] =	sst s10  }
0x35: {  	s10 =	sld [smem:$0x3FA1];
	_ =	sdelay $0x3  }
0x36: {  	p1 =	seq.s32 s10, $0x1;
	s10 =	sld [smem:$0x3FA2];
	_ =	sdelay $0x3  }
0x37: {  	[smem:$0x3FA2] =	sst s10  }
0x38: {  	s10 =	sld [smem:$0x3FA3]  }
0x39: {  	_ = 	snop;
	(pc) =	sbr.ind lr, $3  }
0x3a: {  	_ = 	snop  }
0x3b: {  	_ = 	snop  }
0x3c: {  	p2 =	seq.s32 s10, $0x1;
	s10 =	sld [smem:$0x3FA2]  }
0x3d: {  	_ =	shalt  }
0x3e: {  	_ =	shalt  }
0x3f: {  	_ =	shalt  }
0x40: {  	_ =	shalt  }
0x41: {  	_ =	shalt  }
0x42: {  	_ =	shalt  }
0x43: {  	_ =	shalt  }
0x44: {  	_ =	shalt  }
0x45: {  	_ =	shalt  }
0x46: {  	_ =	shalt  }
0x47: {  	_ =	shalt  }
0x48: {  	_ =	shalt  }
0x49: {  	_ =	shalt  }
0x4a: {  	_ =	shalt  }
0x4b: {  	_ =	shalt  }
0x4c: {  	_ =	shalt  }
0x4d: {  	_ =	shalt  }
0x4e: {  	_ =	shalt  }
0x4f: {  	_ =	shalt  }
0x50: {  	_ =	shalt  }
0x51: {  	_ =	shalt  }
0x52: {  	_ =	shalt  }
0x53: {  	_ =	shalt  }
0x54: {  	_ =	shalt  }
0x55: {  	_ =	shalt  }
0x56: {  	_ =	shalt  }
0x57: {  	_ =	shalt  }
0x58: {  	_ =	shalt  }
0x59: {  	_ =	shalt  }
0x5a: {  	_ =	shalt  }
0x5b: {  	_ =	shalt  }
0x5c: {  	_ =	shalt  }
0x5d: {  	_ =	shalt  }
0x5e: {  	_ =	shalt  }
0x5f: {  	_ =	shalt  }
0x60: {  	_ =	shalt  }
0x61: {  	_ =	shalt  }
0x62: {  	_ =	shalt  }
0x63: {  	_ =	shalt  }
0x64: {  	_ =	shalt  }
0x65: {  	_ =	shalt  }
0x66: {  	_ =	shalt  }
0x67: {  	_ =	shalt  }
0x68: {  	_ =	shalt  }
0x69: {  	_ =	shalt  }
0x6a: {  	_ =	shalt  }
0x6b: {  	_ =	shalt  }
0x6c: {  	_ =	shalt  }
0x6d: {  	_ =	shalt  }
0x6e: {  	_ =	shalt  }
0x6f: {  	_ =	shalt  }
0x70: {  	_ =	shalt  }
0x71: {  	_ =	shalt  }
0x72: {  	_ =	shalt  }
0x73: {  	_ =	shalt  }
0x74: {  	_ =	shalt  }
0x75: {  	_ =	shalt  }
0x76: {  	_ =	shalt  }
0x77: {  	_ =	shalt  }
0x78: {  	_ =	shalt  }
0x79: {  	_ =	shalt  }
0x7a: {  	_ =	shalt  }
0x7b: {  	_ =	shalt  }
0x7c: {  	_ =	shalt  }
0x7d: {  	_ =	shalt  }
0x7e: {  	_ =	shalt  }
0x7f: {  	_ =	shalt  }
0x80: {  	_ =	shalt  }
0x81: {  	_ =	shalt  }
0x82: {  	_ =	shalt  }
0x83: {  	_ =	shalt  }
0x84: {  	_ =	shalt  }
0x85: {  	_ =	shalt  }
0x86: {  	_ =	shalt  }
0x87: {  	_ =	shalt  }
.Lfunc_end0:
.L_simem_size_0:
called_computation_lowered:
.L_overlay_start_0:
0x88: {  	s2 =	sld [smem:$0x3FD9]  }
0x89: {  	s3 =	sld [smem:$0x3FFE];
	_ =	sdelay $0x1  }
0x8a: {  	s1 =	srdreg.scid  }
0x8b: {  	s0 =	sand.u32 $0x1, s1  }
0x8c: {  	s14 =	sshll.u32 s0, $0xA;
	s2 =	sadd.s32 s3, s2  }
0x8d: {  	s2 =	sadd.s32 s2, s14  }
0x8e: {  	[smem:$0x3FAE] =	sst s2  }
0x8f: {  	_ = 	snop  }
0x90: {  	s2 =	sld [smem:$0x3FD0];
	_ =	sdelay $0x2  }
0x91: {  	s15 =	simm.s32 $0xA;
	s4 =	simm.s32 $0x10  }
0x92: {  	[smem:s4], [sflag:s15] =	dma.local [hbm:s2], $0x1  }
0x93: {  	_ =	swait.eq [sflag:s15], $0x1  }
0x94: {  	[sflag:s15] =	ssyncset.done $0x0  }
0x95: {  	[sflag:s15] =	ssyncadd.s32 $0xFFFFFFFF  }
0x96: {  	s16 =	sld [smem:$0x10];
	(tm) =	ssettm $0x1  }
0x97: {  	s17 =	sld [smem:$0x3FFB];
	_ =	sdelay $0x3  }
0x98: {  	_ =	strace s17  }
0x99: {  	s3 =	sld [smem:$0x3FFC];
	_ =	sdelay $0x3  }
0x9a: {  	_ =	strace s3  }
0x9b: {  	s3 =	sld [smem:$0x3FFD];
	_ =	sdelay $0x3  }
0x9c: {  	_ =	strace s3  }
0x9d: {  	_ =	strace $0x8FFFFFFF  }
0x9e: {  	s18 =	sld [smem:$0x3FDB];
	_ =	sdelay $0x1  }
0x9f: {  	s19 =	simm.s32 $_scs_section_size  }
0xa0: {  	s5 =	simm.s32 $_size__tile_overlayer_lowered;
	s6 =	simm.s32 $_tile_overlayer_lowered  }
0xa1: {  	s22 =	simm.s32 $0x1BFF;
	s21 =	sshll.u32 s6, $0x1;
	s3 =	sadd.s32 s19, s18  }
0xa2: {  	s7 =	simm.s32 $0x0;
	s20 =	sshll.u32 s5, $0x1;
	s5 =	sadd.s32 s21, s3  }
0xa3: {  	[timem:s7], [sflag:s22] =	dma.local [hbm:s5], s20  }
0xa4: {  	_ =	swait.ge [sflag:s22], s20  }
0xa5: {  	s4 =	ssub.s32 $0x0, s20;
	[sflag:s22] =	ssyncset.done $0x0  }
0xa6: {  	[sflag:s22] =	ssyncadd.s32 s4;
	_ =	sdelay $0x1  }
0xa7: {  	s23 =	simm.s32 $0x1B8B  }
0xa8: {  	_ =	swait.ge [sflag:s23], $0x1  }
0xa9: {  	[sflag:s23] =	ssyncset.done $0x0  }
0xaa: {  	s25 =	simm.s32 $0x1B8E;
	s24 =	sld [smem:$0x3FFE];
	[sflag:s23] =	ssyncadd.s32 $0xFFFFFFFF  }
0xab: {  	s26 =	simm.s32 $execute0_lowered;
	[smem:$0x3FD2] =	sst s25  }
0xac: {  	s5 =	sshll.u32 s26, $0x1;
	_ =	strace $0x80000046;
	[dreg:$0x1] =	wrdreg $0xFFFFFFFF  }
0xad: {  	s28 =	simm.s32 $_size_execute0_lowered;
	s3 =	sadd.s32 s3, s5;
	[dreg:$0x0] =	wrdreg $0x0  }
0xae: {  	s5 =	sshll.u32 s28, $0x1;
	[dreg:$0x2] =	wrdreg s3  }
0xaf: {  	[dreg:$0x3] =	wrdreg s5  }
0xb0: {  	[dreg:$0x4] =	wrdreg $0xC0  }
0xb1: {  	_ =	task [dreg:s7], $0x5FFFF  }
0xb2: {  	[dreg:$0x1] =	wrdreg $0xFFFFFFFF  }
0xb3: {  	[dreg:$0x0] =	wrdreg $0x60  }
0xb4: {  	[dreg:$0x2] =	wrdreg s24  }
0xb5: {  	[dreg:$0x3] =	wrdreg s16  }
0xb6: {  	[dreg:$0x4] =	wrdreg $0x9  }
0xb7: {  	_ =	task.clear_ibuf [dreg:s7], $0x5FFFF;
	_ =	strace $0x90000046  }
0xb8: {  	s29 =	simm.s32 $0x9;
	_ =	strace $0x80000048  }
0xb9: {  	_ =	swait.ge [sflag:s29], $0x1  }
0xba: {  	[sflag:s29] =	ssyncadd.s32 $0xFFFFFFFF  }
0xbb: {  	_ =	strace $0x90000048  }
0xbc: {  	_ =	sfence  }
0xbd: {  	s30 =	sld [smem:$0x0];
	_ =	sdelay $0x2  }
0xbe: {  	s31 =	sshll.u32 s1, $0xD;
	s1 =	sshrl.u32 s1, $0x2  }
0xbf: {  	s3 =	sand.u32 $0x4000, s31;
	s1 =	sadd.s32 s1, s30  }
0xc0: {  	s0 =	sor.u32 s3, s0;
	s1 =	sshll.u32 s1, $0x11  }
0xc1: {  	s0 =	sor.u32 s1, s0  }
0xc2: {  	s0 =	sadd.s32 $0x8F2B, s0  }
0xc3: {  	[sflag:s0] =	ssyncadd.remote.s32 $0x1  }
0xc4: {  	_ =	sfence.sel $0xFFFF  }
0xc5: {  	[dreg:$0x0] =	wrdreg $0xFFFFFFFF;
	(pc) =	sbr.abs _section_cstart, $3  }
0xc6: {  	[dreg:$0x1] =	wrdreg $0xFFFFFFFF  }
0xc7: {  	_ =	task.clear_ibuf [dreg:s7], $0x2FFFF;
	_ =	strace $0x9FFFFFFF  }
0xc8: {  	(tm) =	ssettm $0x7FFFFFFF  }
0xc9: {  	_ =	shalt  }
tec
execute0_lowered:
.L_overlay_start_1:
0x0: {  	(tag) =	ssettag $0x1  }
0x1: {  	s7 =	rddreg [dreg:$0x0]  }
0x2: {  	s2 =	rddreg [dreg:$0x1]  }
0x3: {  	s0 =	rddreg [dreg:$0x2]  }
0x4: {  	s1 =	srdreg.scid;
	_ =	strace $0x80000047;
	s4 =	simm.s32 $0x1  }
0x5: {  	s9 =	simm.s32 $0x3;
	s12 =	simm.s32 $0x0;
	s5 =	sshll.u32 s1, $0x4  }
.Ltmp0:
0x6: {  	s1 =	stileid.u32;
	s5 =	sand.u32 $0x10, s5;
	(pc) =	sbr.rel .LBB2_1-.Ltmp0, $4  }
0x7: {  	s10 =	simm.s32 $0x0;
	s3 =	sadd.s32 $0x3A00, s7;
	s6 =	sor.u32 s1, s5  }
0x8: {  	[sflag:s4] =	ssyncpa.u1 $0x0;
	s5 =	simm.s32 $0x2;
	s6 =	sshll.u32 s6, $0x8  }
0x9: {  	s7 =	sadd.s32 $0x44000, s7;
	[sflag:s5] =	ssyncpa.u1 $0x0;
	s8 =	sadd.s32 $0x100, s6  }
0xa: {  	vm0 =	vmmov $0xff;
	vm1 =	vcmask $0x3F20;
	[sflag:s9] =	ssyncpa.u1 $0x0;
	s9 =	simm.s32 $0x100;
	s11 =	smov.u32 s6  }
.LBB2_9:
0xb: {  	p0 =	seq.s32 s10, $0x2  }
.Ltmp1:
0xc: {  	_ = 	snop;
	(pc) =	sbr.rel @p0 .LBB2_11-.Ltmp1, $1  }
0xd: {  	_ =	sdelay $0x3  }
.LBB2_10:
0xe: {  	s12 =	sadd.s32 $0x100, s11  }
0xf: {  	s13 =	smov.u32 s6;
	p0 =	slt.s32 s12, s8  }
0x10: {  	s13 =	smov.u32 @p0 s12  }
0x11: {  	s10 =	sadd.s32 $0x1, s10;
	s12 =	smov.u32 s11;
	s11 =	smov.u32 s13  }
.LBB2_1:
0x12: {  	p0 =	sne.s32 s10, $0x0  }
.Ltmp2:
0x13: {  	_ = 	snop;
	(pc) =	sbr.rel @!p0 .LBB2_2-.Ltmp2, $1  }
0x14: {  	_ =	sdelay $0x3  }
0x15: {  	s13 =	sand.u32 $0x1, s10  }
0x16: {  	p0 =	seq.s32 s13, $0x0  }
.Ltmp3:
0x17: {  	_ = 	snop;
	(pc) =	sbr.rel @p0 .LBB2_9-.Ltmp3, $1  }
0x18: {  	_ =	sdelay $0x3  }
0x19: {  	_ =	swait.ge [sflag:s5], $0x100  }
0x1a: {  	[sflag:s5] =	ssyncset.done $0x0  }
0x1b: {  	s13 =	simm.s32 $0x0;
	[sflag:s5] =	ssyncadd.s32 $0xFFFFFF00  }
0x1c: {  	v0 =	vld.msk [tilespmem:s13+$0x100 ss:$0x1], $0xffff;
	_ =	sdelay $0x4  }
0x1d: {  	v1 =	vshll.u32 v0, $0x6  }
0x1e: {  	vm2 =	veq.s32 v0, $0x80000000;
	v0 =	vshll.u32 v0, $0x14;
	v1 =	vand.u32 $0xFFF80, v1  }
0x1f: {  	v0 =	vand.u32 $0x100000, v0;
	v1 =	vsel vm2, $0xFFFFFF80, v1  }
0x20: {  	v0 =	vsel vm2, $0xFFF00000, v0;
	v2 =	vand.u32 $0xFFFFFC00, v1  }
0x21: {  	v1 =	vand.u32 $0x380, v1;
	v0 =	vadd.s32 v0, v2  }
0x22: {  	v0 =	vor.u32 v1, v0  }
0x23: {  	v0 =	vshrl.u32 v0, $0x3;
	_ =	sdelay $0x3  }
0x24: {  	s13 =	simm.s32 $0x8200  }
0x25: {  	[tilespmem:s13], [sflag:$0x1] =	stream.indirect_vreg.gather [hbm:s3], $0x80, v0, vm0, $0x38;
	[tilespmem:$0x10200] =	vst v63  }
0x26: {  	s14 =	simm.s32 $0x8600;
	s31 =	simm.s32 $0x10  }
0x27: {  	[tilespmem:s14], [sflag:$0x1] =	stream.indirect_vreg.gather [hbm:s3], $0x80, v0, vm1, $0x38;
	[tilespmem:$0x10200] =	vst v63  }
0x28: {  	s14 =	simm.s32 $0x80;
	v0 =	vld.msk [tilespmem:s31+$0x100 ss:$0x1], $0xffff  }
.LBB2_5:
0x29: {  	p0 =	sne.s32 s14, $0x3C0;
	_ =	sdelay $0x4  }
0x2a: {  	v1 =	vshll.u32 v0, $0x6  }
0x2b: {  	vm2 =	veq.s32 v0, $0x80000000;
	v0 =	vshll.u32 v0, $0x14;
	v1 =	vand.u32 $0xFFF80, v1  }
0x2c: {  	v0 =	vand.u32 $0x100000, v0;
	v1 =	vsel vm2, $0xFFFFFF80, v1  }
0x2d: {  	v0 =	vsel vm2, $0xFFF00000, v0;
	v2 =	vand.u32 $0xFFFFFC00, v1  }
0x2e: {  	v1 =	vand.u32 $0x380, v1;
	v0 =	vadd.s32 v0, v2  }
0x2f: {  	v0 =	vor.u32 v1, v0  }
0x30: {  	v0 =	vshrl.u32 v0, $0x3;
	_ =	sdelay $0x3  }
.Ltmp4:
0x31: {  	s13 =	sadd.s32 $0x800, s13;
	(pc) =	sbr.rel @p0 .LBB2_5-.Ltmp4, $4  }
0x32: {  	[tilespmem:s13], [sflag:$0x1] =	stream.indirect_vreg.gather [hbm:s3], $0x80, v0, vm0, $0x38;
	[tilespmem:$0x10200] =	vst v63  }
0x33: {  	s15 =	sshra.s32 s14, $0x2;
	s16 =	sadd.s32 $0x400, s13  }
0x34: {  	[tilespmem:s16], [sflag:$0x1] =	stream.indirect_vreg.gather [hbm:s3], $0x80, v0, vm1, $0x38;
	[tilespmem:$0x10200] =	vst v63  }
0x35: {  	s14 =	sadd.s32 $0x40, s14;
	v0 =	vld.msk [tilespmem:s15+$0x100 ss:$0x1], $0xffff  }
0x36: {  	_ =	sdelay $0x3  }
0x37: {  	v1 =	vshll.u32 v0, $0x6  }
0x38: {  	vm2 =	veq.s32 v0, $0x80000000;
	v63 =	vshll.u32 v0, $0x14;
	v1 =	vand.u32 $0xFFF80, v1  }
0x39: {  	v0 =	vand.u32 $0x100000, v63;
	v1 =	vsel vm2, $0xFFFFFF80, v1  }
0x3a: {  	v0 =	vsel vm2, $0xFFF00000, v0;
	v2 =	vand.u32 $0xFFFFFC00, v1  }
0x3b: {  	v1 =	vand.u32 $0x380, v1;
	v0 =	vadd.s32 v0, v2  }
0x3c: {  	v0 =	vor.u32 v1, v0  }
0x3d: {  	v0 =	vshrl.u32 v0, $0x3;
	_ =	sdelay $0x3  }
0x3e: {  	s13 =	sadd.s32 $0x800, s13  }
0x3f: {  	[tilespmem:s13], [sflag:$0x1] =	stream.indirect_vreg.gather [hbm:s3], $0x80, v0, vm0, $0x38;
	[tilespmem:$0x10200] =	vst v63  }
0x40: {  	s13 =	sadd.s32 $0x400, s13  }
0x41: {  	[tilespmem:s13], [sflag:$0x1] =	stream.indirect_vreg.gather [hbm:s3], $0x80, v0, vm1, $0x38;
	[tilespmem:$0x10200] =	vst v63  }
0x42: {  	s12 =	sshll.u32 s12, $0x4;
	s14 =	simm.s32 $0x80;
	_ =	swait.ge [sflag:s4], $0x8000  }
0x43: {  	s15 =	simm.s32 $0x8600;
	s12 =	sadd.s32 s12, s7;
	[sflag:s4] =	ssyncset.done $0x0  }
0x44: {  	s16 =	sadd.s32 $0x0, s12;
	s13 =	simm.s32 $0x8200;
	[sflag:s4] =	ssyncadd.s32 $0xFFFF8000  }
.LBB2_7:
0x45: {  	[hbm:s16] =	stream.linear.scatter [tilespmem:s13], [sflag:$0x3], $0x400, $0x38;
	[tilespmem:$0x10200] =	vst v63  }
0x46: {  	s16 =	smov.u32 s14;
	s13 =	smov.u32 s15;
	p0 =	sne.s32 s14, $0xF80  }
.Ltmp5:
0x47: {  	s14 =	sadd.s32 $0x80, s14;
	(pc) =	sbr.rel @p0 .LBB2_7-.Ltmp5, $2  }
0x48: {  	_ =	sdelay $0x2  }
0x49: {  	s15 =	sadd.s32 $0x400, s15;
	s16 =	sadd.s32 s16, s12  }
.Ltmp6:
0x4a: {  	(pc) =	sbr.rel .LBB2_9-.Ltmp6, $2  }
0x4b: {  	_ =	sdelay $0x2  }
0x4c: {  	[hbm:s16] =	stream.linear.scatter [tilespmem:s13], [sflag:$0x3], $0x400, $0x38;
	[tilespmem:$0x10200] =	vst v63  }
.LBB2_2:
.Ltmp7:
0x4d: {  	(pc) =	sbr.rel .LBB2_10-.Ltmp7, $4  }
0x4e: {  	_ = 	snop  }
0x4f: {  	s12 =	sshrl.u32 s11, $0x3  }
0x50: {  	s13 =	sand.u32 $0x7, s11;
	s12 =	sadd.s32 s2, s12  }
0x51: {  	[tilespmem:s9], [sflag:$0x2] =	stream.linear.gather [hbm4b:s12+s13], $0x100, $0x38;
	[tilespmem:$0x10200] =	vst v63  }
.LBB2_11:
0x52: {  	s2 =	simm.s32 $0x3  }
0x53: {  	_ =	swait.ge [sflag:s2], $0x8000  }
0x54: {  	[sflag:s2] =	ssyncset.done $0x0  }
0x55: {  	[sflag:s2] =	ssyncadd.s32 $0xFFFF8000  }
0x56: {  	_ =	sfence.sel $0x180000  }
0x57: {  	s3 =	simm.s32 $0x2;
	[bflag:$0x0] =	sbarrier.arrive $0xFFFF  }
0x58: {  	[sflag:s3] =	ssyncpa.u1 $0x1  }
0x59: {  	s31 =	simm.s32 $0x1;
	[sflag:s2] =	ssyncpa.u1 $0x1  }
0x5a: {  	[sflag:s31] =	ssyncpa.u1 $0x1  }
0x5b: {  	p0 =	sne.s32 s1, $0x0;
	_ =	strace $0x90000047  }
0x5c: {  	s0 =	sadd.s32 @!p0 $0x100000, s0;
	[bflag:$0x2] =	sbarrier.arrive $0xFFFF  }
0x5d: {  	[sflag:s0] =	ssyncadd.tile.s32 @!p0 $0x1;
	_ =	shalt  }
.Lfunc_end2:
_tile_overlayer_lowered:
.L_overlay_start_2:
0x5e: {  	(tag) =	ssettag $0x2  }
0x5f: {  	s0 =	rddreg [dreg:$0x0];
	s2 =	stileid.u32  }
0x60: {  	s1 =	rddreg [dreg:$0x1];
	p0 =	sne.s32 s2, $0x0  }
0x61: {  	s3 =	rddreg [dreg:$0x2];
	[bflag:$0x3] =	sbarrier.arrive $0xFFFF;
	s2 =	simm.s32 @!p0 $0x1C01  }
0x62: {  	[timem:s3], [sflag:s2] =	dma.local @!p0 [hbm:s0], s1  }
0x63: {  	s0 =	simm.s32 @!p0 $0x1  }
0x64: {  	_ =	swait.ge @!p0 [sflag:s0], s1  }
0x65: {  	s1 =	ssub.s32 @!p0 $0x0, s1;
	[sflag:s0] =	ssyncset.done @!p0 $0x0  }
0x66: {  	[sflag:s0] =	ssyncadd.s32 @!p0 s1  }
0x67: {  	[bflag:$0x3] =	sbarrier.arrive $0xFFFF  }
0x68: {  	_ =	shalt  }

</sc_bundles>
